<compile_context>
chip_gen: v7x
topology: tpu7x:2x2x1
jax: 0.10.2.dev20260603
libtpu: 0.0.44.dev20260713+nightly
codegen_flags: <defaults>
</compile_context>

<pallas_src>
import jax
import jax.numpy as jnp
from jax import lax
from jax.experimental import pallas as pl
from jax.experimental.pallas import tpu as pltpu
from jax.experimental.pallas import tpu_sc as plsc

T = 2048
NCOL = 32 * 512
NC = 2
NS = 16
NW = NC * NS
CPW = NCOL // NW
ROWS = 64
NCHUNK = T // ROWS
LANES = 16
JGROUPS = CPW // LANES
BIG = 4096.0
DT = 0.001


def _body(x_hbm, out_hbm, buf0, buf1, acc, outv, sem0, sem1):
    wid = lax.axis_index("s") * NC + lax.axis_index("c")
    col0 = wid * CPW
    bufs = (buf0, buf1)
    sems = (sem0, sem1)

    def copy_in(g, b):
        return pltpu.make_async_copy(
            x_hbm.at[pl.ds(g * ROWS, ROWS), pl.ds(col0, CPW)], bufs[b], sems[b]
        )

    zeros = jnp.zeros((LANES,), jnp.float32)
    for j in range(JGROUPS):
        acc[pl.ds(j * LANES, LANES)] = zeros

    copy_in(0, 0).start()
    copy_in(1, 1).start()

    def chunk_body(g2, _):
        for b in range(2):
            g = g2 * 2 + b
            copy_in(g, b).wait()
            buf = bufs[b]
            base = lax.convert_element_type(g * ROWS, jnp.float32) - BIG

            def jgroup(j, _):
                def row(r, a):
                    w = jnp.full(
                        (LANES,),
                        base + lax.convert_element_type(r, jnp.float32),
                        jnp.float32,
                    )
                    v = buf[r, pl.ds(j * LANES, LANES)]
                    return jnp.minimum(a, v * w)

                a0 = acc[pl.ds(j * LANES, LANES)]
                a = lax.fori_loop(0, ROWS, row, a0, unroll=8)
                acc[pl.ds(j * LANES, LANES)] = a
                return 0

            lax.fori_loop(0, JGROUPS, jgroup, 0)

            @pl.when(g + 2 < NCHUNK)
            def _():
                copy_in(g + 2, b).start()

        return 0

    lax.fori_loop(0, NCHUNK // 2, chunk_body, 0)

    inf = jnp.full((LANES,), jnp.inf, jnp.float32)
    for j in range(JGROUPS):
        m = acc[pl.ds(j * LANES, LANES)]
        outv[pl.ds(j * LANES, LANES)] = jnp.where(m < 0.0, (m + BIG) * DT, inf)
    pltpu.sync_copy(outv, out_hbm.at[pl.ds(col0, CPW)])


@jax.jit
def kernel(spike_input):
    x = spike_input.reshape(T, NCOL)
    run = pl.kernel(
        _body,
        out_type=jax.ShapeDtypeStruct((NCOL,), jnp.float32),
        mesh=plsc.VectorSubcoreMesh(core_axis_name="c", subcore_axis_name="s"),
        scratch_types=[
            pltpu.VMEM((ROWS, CPW), jnp.float32),
            pltpu.VMEM((ROWS, CPW), jnp.float32),
            pltpu.VMEM((CPW,), jnp.float32),
            pltpu.VMEM((CPW,), jnp.float32),
            pltpu.SemaphoreType.DMA,
            pltpu.SemaphoreType.DMA,
        ],
    )
    out = run(x)
    return out.reshape(1, 32, 512)

# --- scband reference (transcript-rebuilt; emitter-appended) ---
"""Pipeline reference for scband-spikes-to-times-decoder-8675833937997 (READ-ONLY COPY).

The authoritative reference and input builder live on the scoring server;
editing this copy changes nothing except your own understanding.
"""

import jax, jax.numpy as jnp
import numpy as np

SPIKE_COUNT = 1
DT = 0.001


def setup_inputs(seed: int = 0) -> dict:
    key = jax.random.key(seed)
    spike_input = jax.random.randint(key, (2048, 32, 512), 0, 2).astype(jnp.float32)
    return {"spike_input": spike_input}


def reference(spike_input):
    T = spike_input.shape[0]
    indexed = spike_input * jnp.arange(1, T + 1, dtype=spike_input.dtype)[:, None, None] - 1.0
    indexed = jnp.where(indexed == -1.0, jnp.inf, indexed)
    k = SPIKE_COUNT if SPIKE_COUNT < T else T
    spike_indices = jnp.sort(indexed, axis=0)[:k]
    # convert indices to times
    return spike_indices * DT

if __name__ == "__main__":
    import jax
    _d = setup_inputs()
    print(jax.jit(kernel)(*tuple(_d.values())))

</pallas_src>

<mosaic_0001>
#map = affine_map<(d0, d1) -> (0, 0)>
#map1 = affine_map<(d0, d1) -> (0)>
module attributes {stable_mosaic.version = 14 : i64} {
  func.func @_body(%arg0: i32, %arg1: i32, %arg2: memref<2048x16384xf32, #tpu.memory_space<hbm>>, %arg3: memref<16384xf32, #tpu.memory_space<hbm>>, %arg4: memref<64x512xf32, #tpu.memory_space<vmem>>, %arg5: memref<64x512xf32, #tpu.memory_space<vmem>>, %arg6: memref<512xf32, #tpu.memory_space<vmem>>, %arg7: memref<512xf32, #tpu.memory_space<vmem>>, %arg8: memref<!tpu.dma_semaphore, #tpu.memory_space<semaphore_mem>>, %arg9: memref<!tpu.dma_semaphore, #tpu.memory_space<semaphore_mem>>) attributes {dimension_semantics = [#tpu.dimension_semantics<core_parallel>, #tpu.dimension_semantics<subcore_parallel>], iteration_bounds = array<i64: 2, 16>, scalar_prefetch = 0 : i64, scratch_operands = 6 : i64, tpu.core_type = #tpu.core_type<sc_vector_subcore>, window_params = [{transform_indices = #map}, {transform_indices = #map1}]} {
    %mul3A = arith.constant 2 : i32
    %mul3A_0 = arith.muli %arg1, %mul3A : i32
    %add3A = arith.addi %mul3A_0, %arg0 : i32
    %mul3A_1 = arith.constant 512 : i32
    %mul3A_2 = arith.muli %add3A, %mul3A_1 : i32
    %broadcast_in_dim3A = arith.constant 0.000000e+00 : f32
    %broadcast_in_dim3A_3 = vector.broadcast %broadcast_in_dim3A : f32 to vector<16xf32>
    %swap3A = arith.constant 0 : index
    %swap3A_4 = tpu.vector_load %arg6[%swap3A] {strides = array<i32>} : memref<512xf32, #tpu.memory_space<vmem>>, vector<16xf32>,
    %swap3A_5 = vector.shape_cast %swap3A_4 : vector<16xf32> to vector<16xf32>
    %swap3A_6 = vector.shape_cast %broadcast_in_dim3A_3 : vector<16xf32> to vector<16xf32>
    tpu.vector_store %arg6[%swap3A], %swap3A_6 {strides = array<i32>} : memref<512xf32, #tpu.memory_space<vmem>>, vector<16xf32>,
    %swap3A_7 = arith.constant 16 : index
    %swap3A_8 = tpu.vector_load %arg6[%swap3A_7] {strides = array<i32>} : memref<512xf32, #tpu.memory_space<vmem>>, vector<16xf32>,
    %swap3A_9 = vector.shape_cast %swap3A_8 : vector<16xf32> to vector<16xf32>
    %swap3A_10 = vector.shape_cast %broadcast_in_dim3A_3 : vector<16xf32> to vector<16xf32>
    tpu.vector_store %arg6[%swap3A_7], %swap3A_10 {strides = array<i32>} : memref<512xf32, #tpu.memory_space<vmem>>, vector<16xf32>,
    %swap3A_11 = arith.constant 32 : index
    %swap3A_12 = tpu.vector_load %arg6[%swap3A_11] {strides = array<i32>} : memref<512xf32, #tpu.memory_space<vmem>>, vector<16xf32>,
    %swap3A_13 = vector.shape_cast %swap3A_12 : vector<16xf32> to vector<16xf32>
    %swap3A_14 = vector.shape_cast %broadcast_in_dim3A_3 : vector<16xf32> to vector<16xf32>
    tpu.vector_store %arg6[%swap3A_11], %swap3A_14 {strides = array<i32>} : memref<512xf32, #tpu.memory_space<vmem>>, vector<16xf32>,
    %swap3A_15 = arith.constant 48 : index
    %swap3A_16 = tpu.vector_load %arg6[%swap3A_15] {strides = array<i32>} : memref<512xf32, #tpu.memory_space<vmem>>, vector<16xf32>,
    %swap3A_17 = vector.shape_cast %swap3A_16 : vector<16xf32> to vector<16xf32>
    %swap3A_18 = vector.shape_cast %broadcast_in_dim3A_3 : vector<16xf32> to vector<16xf32>
    tpu.vector_store %arg6[%swap3A_15], %swap3A_18 {strides = array<i32>} : memref<512xf32, #tpu.memory_space<vmem>>, vector<16xf32>,
    %swap3A_19 = arith.constant 64 : index
    %swap3A_20 = tpu.vector_load %arg6[%swap3A_19] {strides = array<i32>} : memref<512xf32, #tpu.memory_space<vmem>>, vector<16xf32>,
    %swap3A_21 = vector.shape_cast %swap3A_20 : vector<16xf32> to vector<16xf32>
    %swap3A_22 = vector.shape_cast %broadcast_in_dim3A_3 : vector<16xf32> to vector<16xf32>
    tpu.vector_store %arg6[%swap3A_19], %swap3A_22 {strides = array<i32>} : memref<512xf32, #tpu.memory_space<vmem>>, vector<16xf32>,
    %swap3A_23 = arith.constant 80 : index
    %swap3A_24 = tpu.vector_load %arg6[%swap3A_23] {strides = array<i32>} : memref<512xf32, #tpu.memory_space<vmem>>, vector<16xf32>,
    %swap3A_25 = vector.shape_cast %swap3A_24 : vector<16xf32> to vector<16xf32>
    %swap3A_26 = vector.shape_cast %broadcast_in_dim3A_3 : vector<16xf32> to vector<16xf32>
    tpu.vector_store %arg6[%swap3A_23], %swap3A_26 {strides = array<i32>} : memref<512xf32, #tpu.memory_space<vmem>>, vector<16xf32>,
    %swap3A_27 = arith.constant 96 : index
    %swap3A_28 = tpu.vector_load %arg6[%swap3A_27] {strides = array<i32>} : memref<512xf32, #tpu.memory_space<vmem>>, vector<16xf32>,
    %swap3A_29 = vector.shape_cast %swap3A_28 : vector<16xf32> to vector<16xf32>
    %swap3A_30 = vector.shape_cast %broadcast_in_dim3A_3 : vector<16xf32> to vector<16xf32>
    tpu.vector_store %arg6[%swap3A_27], %swap3A_30 {strides = array<i32>} : memref<512xf32, #tpu.memory_space<vmem>>, vector<16xf32>,
    %swap3A_31 = arith.constant 112 : index
    %swap3A_32 = tpu.vector_load %arg6[%swap3A_31] {strides = array<i32>} : memref<512xf32, #tpu.memory_space<vmem>>, vector<16xf32>,
    %swap3A_33 = vector.shape_cast %swap3A_32 : vector<16xf32> to vector<16xf32>
    %swap3A_34 = vector.shape_cast %broadcast_in_dim3A_3 : vector<16xf32> to vector<16xf32>
    tpu.vector_store %arg6[%swap3A_31], %swap3A_34 {strides = array<i32>} : memref<512xf32, #tpu.memory_space<vmem>>, vector<16xf32>,
    %swap3A_35 = arith.constant 128 : index
    %swap3A_36 = tpu.vector_load %arg6[%swap3A_35] {strides = array<i32>} : memref<512xf32, #tpu.memory_space<vmem>>, vector<16xf32>,
    %swap3A_37 = vector.shape_cast %swap3A_36 : vector<16xf32> to vector<16xf32>
    %swap3A_38 = vector.shape_cast %broadcast_in_dim3A_3 : vector<16xf32> to vector<16xf32>
    tpu.vector_store %arg6[%swap3A_35], %swap3A_38 {strides = array<i32>} : memref<512xf32, #tpu.memory_space<vmem>>, vector<16xf32>,
    %swap3A_39 = arith.constant 144 : index
    %swap3A_40 = tpu.vector_load %arg6[%swap3A_39] {strides = array<i32>} : memref<512xf32, #tpu.memory_space<vmem>>, vector<16xf32>,
    %swap3A_41 = vector.shape_cast %swap3A_40 : vector<16xf32> to vector<16xf32>
    %swap3A_42 = vector.shape_cast %broadcast_in_dim3A_3 : vector<16xf32> to vector<16xf32>
    tpu.vector_store %arg6[%swap3A_39], %swap3A_42 {strides = array<i32>} : memref<512xf32, #tpu.memory_space<vmem>>, vector<16xf32>,
    %swap3A_43 = arith.constant 160 : index
    %swap3A_44 = tpu.vector_load %arg6[%swap3A_43] {strides = array<i32>} : memref<512xf32, #tpu.memory_space<vmem>>, vector<16xf32>,
    %swap3A_45 = vector.shape_cast %swap3A_44 : vector<16xf32> to vector<16xf32>
    %swap3A_46 = vector.shape_cast %broadcast_in_dim3A_3 : vector<16xf32> to vector<16xf32>
    tpu.vector_store %arg6[%swap3A_43], %swap3A_46 {strides = array<i32>} : memref<512xf32, #tpu.memory_space<vmem>>, vector<16xf32>,
    %swap3A_47 = arith.constant 176 : index
    %swap3A_48 = tpu.vector_load %arg6[%swap3A_47] {strides = array<i32>} : memref<512xf32, #tpu.memory_space<vmem>>, vector<16xf32>,
    %swap3A_49 = vector.shape_cast %swap3A_48 : vector<16xf32> to vector<16xf32>
    %swap3A_50 = vector.shape_cast %broadcast_in_dim3A_3 : vector<16xf32> to vector<16xf32>
    tpu.vector_store %arg6[%swap3A_47], %swap3A_50 {strides = array<i32>} : memref<512xf32, #tpu.memory_space<vmem>>, vector<16xf32>,
    %swap3A_51 = arith.constant 192 : index
    %swap3A_52 = tpu.vector_load %arg6[%swap3A_51] {strides = array<i32>} : memref<512xf32, #tpu.memory_space<vmem>>, vector<16xf32>,
    %swap3A_53 = vector.shape_cast %swap3A_52 : vector<16xf32> to vector<16xf32>
    %swap3A_54 = vector.shape_cast %broadcast_in_dim3A_3 : vector<16xf32> to vector<16xf32>
    tpu.vector_store %arg6[%swap3A_51], %swap3A_54 {strides = array<i32>} : memref<512xf32, #tpu.memory_space<vmem>>, vector<16xf32>,
    %swap3A_55 = arith.constant 208 : index
    %swap3A_56 = tpu.vector_load %arg6[%swap3A_55] {strides = array<i32>} : memref<512xf32, #tpu.memory_space<vmem>>, vector<16xf32>,
    %swap3A_57 = vector.shape_cast %swap3A_56 : vector<16xf32> to vector<16xf32>
    %swap3A_58 = vector.shape_cast %broadcast_in_dim3A_3 : vector<16xf32> to vector<16xf32>
    tpu.vector_store %arg6[%swap3A_55], %swap3A_58 {strides = array<i32>} : memref<512xf32, #tpu.memory_space<vmem>>, vector<16xf32>,
    %swap3A_59 = arith.constant 224 : index
    %swap3A_60 = tpu.vector_load %arg6[%swap3A_59] {strides = array<i32>} : memref<512xf32, #tpu.memory_space<vmem>>, vector<16xf32>,
    %swap3A_61 = vector.shape_cast %swap3A_60 : vector<16xf32> to vector<16xf32>
    %swap3A_62 = vector.shape_cast %broadcast_in_dim3A_3 : vector<16xf32> to vector<16xf32>
    tpu.vector_store %arg6[%swap3A_59], %swap3A_62 {strides = array<i32>} : memref<512xf32, #tpu.memory_space<vmem>>, vector<16xf32>,
    %swap3A_63 = arith.constant 240 : index
    %swap3A_64 = tpu.vector_load %arg6[%swap3A_63] {strides = array<i32>} : memref<512xf32, #tpu.memory_space<vmem>>, vector<16xf32>,
    %swap3A_65 = vector.shape_cast %swap3A_64 : vector<16xf32> to vector<16xf32>
    %swap3A_66 = vector.shape_cast %broadcast_in_dim3A_3 : vector<16xf32> to vector<16xf32>
    tpu.vector_store %arg6[%swap3A_63], %swap3A_66 {strides = array<i32>} : memref<512xf32, #tpu.memory_space<vmem>>, vector<16xf32>,
    %swap3A_67 = arith.constant 256 : index
    %swap3A_68 = tpu.vector_load %arg6[%swap3A_67] {strides = array<i32>} : memref<512xf32, #tpu.memory_space<vmem>>, vector<16xf32>,
    %swap3A_69 = vector.shape_cast %swap3A_68 : vector<16xf32> to vector<16xf32>
    %swap3A_70 = vector.shape_cast %broadcast_in_dim3A_3 : vector<16xf32> to vector<16xf32>
    tpu.vector_store %arg6[%swap3A_67], %swap3A_70 {strides = array<i32>} : memref<512xf32, #tpu.memory_space<vmem>>, vector<16xf32>,
    %swap3A_71 = arith.constant 272 : index
    %swap3A_72 = tpu.vector_load %arg6[%swap3A_71] {strides = array<i32>} : memref<512xf32, #tpu.memory_space<vmem>>, vector<16xf32>,
    %swap3A_73 = vector.shape_cast %swap3A_72 : vector<16xf32> to vector<16xf32>
    %swap3A_74 = vector.shape_cast %broadcast_in_dim3A_3 : vector<16xf32> to vector<16xf32>
    tpu.vector_store %arg6[%swap3A_71], %swap3A_74 {strides = array<i32>} : memref<512xf32, #tpu.memory_space<vmem>>, vector<16xf32>,
    %swap3A_75 = arith.constant 288 : index
    %swap3A_76 = tpu.vector_load %arg6[%swap3A_75] {strides = array<i32>} : memref<512xf32, #tpu.memory_space<vmem>>, vector<16xf32>,
    %swap3A_77 = vector.shape_cast %swap3A_76 : vector<16xf32> to vector<16xf32>
    %swap3A_78 = vector.shape_cast %broadcast_in_dim3A_3 : vector<16xf32> to vector<16xf32>
    tpu.vector_store %arg6[%swap3A_75], %swap3A_78 {strides = array<i32>} : memref<512xf32, #tpu.memory_space<vmem>>, vector<16xf32>,
    %swap3A_79 = arith.constant 304 : index
    %swap3A_80 = tpu.vector_load %arg6[%swap3A_79] {strides = array<i32>} : memref<512xf32, #tpu.memory_space<vmem>>, vector<16xf32>,
    %swap3A_81 = vector.shape_cast %swap3A_80 : vector<16xf32> to vector<16xf32>
    %swap3A_82 = vector.shape_cast %broadcast_in_dim3A_3 : vector<16xf32> to vector<16xf32>
    tpu.vector_store %arg6[%swap3A_79], %swap3A_82 {strides = array<i32>} : memref<512xf32, #tpu.memory_space<vmem>>, vector<16xf32>,
    %swap3A_83 = arith.constant 320 : index
    %swap3A_84 = tpu.vector_load %arg6[%swap3A_83] {strides = array<i32>} : memref<512xf32, #tpu.memory_space<vmem>>, vector<16xf32>,
    %swap3A_85 = vector.shape_cast %swap3A_84 : vector<16xf32> to vector<16xf32>
    %swap3A_86 = vector.shape_cast %broadcast_in_dim3A_3 : vector<16xf32> to vector<16xf32>
    tpu.vector_store %arg6[%swap3A_83], %swap3A_86 {strides = array<i32>} : memref<512xf32, #tpu.memory_space<vmem>>, vector<16xf32>,
    %swap3A_87 = arith.constant 336 : index
    %swap3A_88 = tpu.vector_load %arg6[%swap3A_87] {strides = array<i32>} : memref<512xf32, #tpu.memory_space<vmem>>, vector<16xf32>,
    %swap3A_89 = vector.shape_cast %swap3A_88 : vector<16xf32> to vector<16xf32>
    %swap3A_90 = vector.shape_cast %broadcast_in_dim3A_3 : vector<16xf32> to vector<16xf32>
    tpu.vector_store %arg6[%swap3A_87], %swap3A_90 {strides = array<i32>} : memref<512xf32, #tpu.memory_space<vmem>>, vector<16xf32>,
    %swap3A_91 = arith.constant 352 : index
    %swap3A_92 = tpu.vector_load %arg6[%swap3A_91] {strides = array<i32>} : memref<512xf32, #tpu.memory_space<vmem>>, vector<16xf32>,
    %swap3A_93 = vector.shape_cast %swap3A_92 : vector<16xf32> to vector<16xf32>
    %swap3A_94 = vector.shape_cast %broadcast_in_dim3A_3 : vector<16xf32> to vector<16xf32>
    tpu.vector_store %arg6[%swap3A_91], %swap3A_94 {strides = array<i32>} : memref<512xf32, #tpu.memory_space<vmem>>, vector<16xf32>,
    %swap3A_95 = arith.constant 368 : index
    %swap3A_96 = tpu.vector_load %arg6[%swap3A_95] {strides = array<i32>} : memref<512xf32, #tpu.memory_space<vmem>>, vector<16xf32>,
    %swap3A_97 = vector.shape_cast %swap3A_96 : vector<16xf32> to vector<16xf32>
    %swap3A_98 = vector.shape_cast %broadcast_in_dim3A_3 : vector<16xf32> to vector<16xf32>
    tpu.vector_store %arg6[%swap3A_95], %swap3A_98 {strides = array<i32>} : memref<512xf32, #tpu.memory_space<vmem>>, vector<16xf32>,
    %swap3A_99 = arith.constant 384 : index
    %swap3A_100 = tpu.vector_load %arg6[%swap3A_99] {strides = array<i32>} : memref<512xf32, #tpu.memory_space<vmem>>, vector<16xf32>,
    %swap3A_101 = vector.shape_cast %swap3A_100 : vector<16xf32> to vector<16xf32>
    %swap3A_102 = vector.shape_cast %broadcast_in_dim3A_3 : vector<16xf32> to vector<16xf32>
    tpu.vector_store %arg6[%swap3A_99], %swap3A_102 {strides = array<i32>} : memref<512xf32, #tpu.memory_space<vmem>>, vector<16xf32>,
    %swap3A_103 = arith.constant 400 : index
    %swap3A_104 = tpu.vector_load %arg6[%swap3A_103] {strides = array<i32>} : memref<512xf32, #tpu.memory_space<vmem>>, vector<16xf32>,
    %swap3A_105 = vector.shape_cast %swap3A_104 : vector<16xf32> to vector<16xf32>
    %swap3A_106 = vector.shape_cast %broadcast_in_dim3A_3 : vector<16xf32> to vector<16xf32>
    tpu.vector_store %arg6[%swap3A_103], %swap3A_106 {strides = array<i32>} : memref<512xf32, #tpu.memory_space<vmem>>, vector<16xf32>,
    %swap3A_107 = arith.constant 416 : index
    %swap3A_108 = tpu.vector_load %arg6[%swap3A_107] {strides = array<i32>} : memref<512xf32, #tpu.memory_space<vmem>>, vector<16xf32>,
    %swap3A_109 = vector.shape_cast %swap3A_108 : vector<16xf32> to vector<16xf32>
    %swap3A_110 = vector.shape_cast %broadcast_in_dim3A_3 : vector<16xf32> to vector<16xf32>
    tpu.vector_store %arg6[%swap3A_107], %swap3A_110 {strides = array<i32>} : memref<512xf32, #tpu.memory_space<vmem>>, vector<16xf32>,
    %swap3A_111 = arith.constant 432 : index
    %swap3A_112 = tpu.vector_load %arg6[%swap3A_111] {strides = array<i32>} : memref<512xf32, #tpu.memory_space<vmem>>, vector<16xf32>,
    %swap3A_113 = vector.shape_cast %swap3A_112 : vector<16xf32> to vector<16xf32>
    %swap3A_114 = vector.shape_cast %broadcast_in_dim3A_3 : vector<16xf32> to vector<16xf32>
    tpu.vector_store %arg6[%swap3A_111], %swap3A_114 {strides = array<i32>} : memref<512xf32, #tpu.memory_space<vmem>>, vector<16xf32>,
    %swap3A_115 = arith.constant 448 : index
    %swap3A_116 = tpu.vector_load %arg6[%swap3A_115] {strides = array<i32>} : memref<512xf32, #tpu.memory_space<vmem>>, vector<16xf32>,
    %swap3A_117 = vector.shape_cast %swap3A_116 : vector<16xf32> to vector<16xf32>
    %swap3A_118 = vector.shape_cast %broadcast_in_dim3A_3 : vector<16xf32> to vector<16xf32>
    tpu.vector_store %arg6[%swap3A_115], %swap3A_118 {strides = array<i32>} : memref<512xf32, #tpu.memory_space<vmem>>, vector<16xf32>,
    %swap3A_119 = arith.constant 464 : index
    %swap3A_120 = tpu.vector_load %arg6[%swap3A_119] {strides = array<i32>} : memref<512xf32, #tpu.memory_space<vmem>>, vector<16xf32>,
    %swap3A_121 = vector.shape_cast %swap3A_120 : vector<16xf32> to vector<16xf32>
    %swap3A_122 = vector.shape_cast %broadcast_in_dim3A_3 : vector<16xf32> to vector<16xf32>
    tpu.vector_store %arg6[%swap3A_119], %swap3A_122 {strides = array<i32>} : memref<512xf32, #tpu.memory_space<vmem>>, vector<16xf32>,
    %swap3A_123 = arith.constant 480 : index
    %swap3A_124 = tpu.vector_load %arg6[%swap3A_123] {strides = array<i32>} : memref<512xf32, #tpu.memory_space<vmem>>, vector<16xf32>,
    %swap3A_125 = vector.shape_cast %swap3A_124 : vector<16xf32> to vector<16xf32>
    %swap3A_126 = vector.shape_cast %broadcast_in_dim3A_3 : vector<16xf32> to vector<16xf32>
    tpu.vector_store %arg6[%swap3A_123], %swap3A_126 {strides = array<i32>} : memref<512xf32, #tpu.memory_space<vmem>>, vector<16xf32>,
    %swap3A_127 = arith.constant 496 : index
    %swap3A_128 = tpu.vector_load %arg6[%swap3A_127] {strides = array<i32>} : memref<512xf32, #tpu.memory_space<vmem>>, vector<16xf32>,
    %swap3A_129 = vector.shape_cast %swap3A_128 : vector<16xf32> to vector<16xf32>
    %swap3A_130 = vector.shape_cast %broadcast_in_dim3A_3 : vector<16xf32> to vector<16xf32>
    tpu.vector_store %arg6[%swap3A_127], %swap3A_130 {strides = array<i32>} : memref<512xf32, #tpu.memory_space<vmem>>, vector<16xf32>,
    %dma_start3A = arith.constant 0 : i32
    %dma_start3A_131 = tpu.memref_slice %arg2[%dma_start3A, %mul3A_2] : memref<2048x16384xf32, #tpu.memory_space<hbm>> -> memref<64x512xf32, #tpu.memory_space<hbm>>
    %dma_start3A_132 = arith.constant 0 : i32
    %dma_start3A_133 = tpu.memref_slice %arg2[%dma_start3A_132, %mul3A_2] : memref<2048x16384xf32, #tpu.memory_space<hbm>> -> memref<64x512xf32, #tpu.memory_space<hbm>>
    tpu.enqueue_dma source(%dma_start3A_133 : memref<64x512xf32, #tpu.memory_space<hbm>>) target(%arg4 : memref<64x512xf32, #tpu.memory_space<vmem>>) target_semaphore(%arg8 : memref<!tpu.dma_semaphore, #tpu.memory_space<semaphore_mem>>)
    %dma_start3A_134 = arith.constant 64 : i32
    %dma_start3A_135 = tpu.memref_slice %arg2[%dma_start3A_134, %mul3A_2] : memref<2048x16384xf32, #tpu.memory_space<hbm>> -> memref<64x512xf32, #tpu.memory_space<hbm>>
    %dma_start3A_136 = arith.constant 64 : i32
    %dma_start3A_137 = tpu.memref_slice %arg2[%dma_start3A_136, %mul3A_2] : memref<2048x16384xf32, #tpu.memory_space<hbm>> -> memref<64x512xf32, #tpu.memory_space<hbm>>
    tpu.enqueue_dma source(%dma_start3A_137 : memref<64x512xf32, #tpu.memory_space<hbm>>) target(%arg5 : memref<64x512xf32, #tpu.memory_space<vmem>>) target_semaphore(%arg9 : memref<!tpu.dma_semaphore, #tpu.memory_space<semaphore_mem>>)
    %scan3A = arith.constant 0 : i32
    %scan3A_138 = arith.constant 0 : i32
    %scan3A_139 = arith.constant 16 : i32
    %scan3A_140 = arith.addi %scan3A_138, %scan3A_139 : i32
    %scan3A_141 = arith.constant 1 : i32
    %scan3A_142 = scf.for %scan3A_687 = %scan3A_138 to %scan3A_140 step %scan3A_141 iter_args(%scan3A_688 = %scan3A) -> (i32)  : i32 {
      %mul3A_689 = arith.constant 2 : i32
      %mul3A_690 = arith.muli %scan3A_687, %mul3A_689 : i32
      %add3A_691 = arith.constant 0 : i32
      %add3A_692 = arith.addi %mul3A_690, %add3A_691 : i32
      %mul3A_693 = arith.constant 64 : i32
      %mul3A_694 = arith.muli %add3A_692, %mul3A_693 : i32
      %dma_wait3A = tpu.memref_slice %arg2[%mul3A_694, %mul3A_2] : memref<2048x16384xf32, #tpu.memory_space<hbm>> -> memref<64x512xf32, #tpu.memory_space<hbm>>
      %dma_wait3A_695 = tpu.memref_slice %arg2[%mul3A_694, %mul3A_2] : memref<2048x16384xf32, #tpu.memory_space<hbm>> -> memref<64x512xf32, #tpu.memory_space<hbm>>
      tpu.wait_dma2 semaphore(%arg8 : memref<!tpu.dma_semaphore, #tpu.memory_space<semaphore_mem>>) src(%dma_wait3A_695 : memref<64x512xf32, #tpu.memory_space<hbm>>) dst(%arg4 : memref<64x512xf32, #tpu.memory_space<vmem>>)
      %mul3A_696 = arith.constant 64 : i32
      %mul3A_697 = arith.muli %add3A_692, %mul3A_696 : i32
      %convert_element_type3A = arith.sitofp %mul3A_697 : i32 to f32
      %sub3A = arith.constant 4.096000e+03 : f32
      %sub3A_698 = arith.subf %convert_element_type3A, %sub3A : f32
      %scan3A_699 = arith.constant 0 : i32
      %scan3A_700 = arith.constant 0 : i32
      %scan3A_701 = arith.constant 32 : i32
      %scan3A_702 = arith.addi %scan3A_700, %scan3A_701 : i32
      %scan3A_703 = arith.constant 1 : i32
      %scan3A_704 = scf.for %scan3A_740 = %scan3A_700 to %scan3A_702 step %scan3A_703 iter_args(%scan3A_741 = %scan3A_699) -> (i32)  : i32 {
        %mul3A_742 = arith.constant 16 : i32
        %mul3A_743 = arith.muli %scan3A_740, %mul3A_742 : i32
        %get3A_744 = arith.index_cast %mul3A_743 : i32 to index
        %get3A_745 = tpu.vector_load %arg6[%get3A_744] {strides = array<i32>} : memref<512xf32, #tpu.memory_space<vmem>>, vector<16xf32>,
        %get3A_746 = vector.shape_cast %get3A_745 : vector<16xf32> to vector<16xf32>
        %scan3A_747 = arith.constant 0 : i32
        %scan3A_748 = arith.constant 64 : i32
        %scan3A_749 = arith.addi %scan3A_747, %scan3A_748 : i32
        %scan3A_750 = arith.constant 8 : i32
        %scan3A_751 = scf.for %scan3A_760 = %scan3A_747 to %scan3A_749 step %scan3A_750 iter_args(%scan3A_761 = %get3A_746) -> (vector<16xf32>)  : i32 {
          %convert_element_type3A_762 = arith.sitofp %scan3A_760 : i32 to f32
          %add3A_763 = arith.addf %sub3A_698, %convert_element_type3A_762 : f32
          %broadcast_in_dim3A_764 = vector.broadcast %add3A_763 : f32 to vector<16xf32>
          %mul3A_765 = arith.constant 16 : i32
          %mul3A_766 = arith.muli %scan3A_740, %mul3A_765 : i32
          %get3A_767 = arith.index_cast %scan3A_760 : i32 to index
          %get3A_768 = arith.index_cast %mul3A_766 : i32 to index
          %get3A_769 = tpu.vector_load %arg4[%get3A_767, %get3A_768] {strides = array<i32>} : memref<64x512xf32, #tpu.memory_space<vmem>>, vector<1x16xf32>,
          %get3A_770 = vector.shape_cast %get3A_769 : vector<1x16xf32> to vector<16xf32>
          %mul3A_771 = arith.mulf %get3A_770, %broadcast_in_dim3A_764 : vector<16xf32>
          %min3A = arith.minimumf %scan3A_761, %mul3A_771 : vector<16xf32>
          %scan3A_772 = arith.constant 1 : i32
          %scan3A_773 = arith.addi %scan3A_760, %scan3A_772 : i32
          %convert_element_type3A_774 = arith.sitofp %scan3A_773 : i32 to f32
          %add3A_775 = arith.addf %sub3A_698, %convert_element_type3A_774 : f32
          %broadcast_in_dim3A_776 = vector.broadcast %add3A_775 : f32 to vector<16xf32>
          %mul3A_777 = arith.constant 16 : i32
          %mul3A_778 = arith.muli %scan3A_740, %mul3A_777 : i32
          %get3A_779 = arith.index_cast %scan3A_773 : i32 to index
          %get3A_780 = arith.index_cast %mul3A_778 : i32 to index
          %get3A_781 = tpu.vector_load %arg4[%get3A_779, %get3A_780] {strides = array<i32>} : memref<64x512xf32, #tpu.memory_space<vmem>>, vector<1x16xf32>,
          %get3A_782 = vector.shape_cast %get3A_781 : vector<1x16xf32> to vector<16xf32>
          %mul3A_783 = arith.mulf %get3A_782, %broadcast_in_dim3A_776 : vector<16xf32>
          %min3A_784 = arith.minimumf %min3A, %mul3A_783 : vector<16xf32>
          %scan3A_785 = arith.constant 2 : i32
          %scan3A_786 = arith.addi %scan3A_760, %scan3A_785 : i32
          %convert_element_type3A_787 = arith.sitofp %scan3A_786 : i32 to f32
          %add3A_788 = arith.addf %sub3A_698, %convert_element_type3A_787 : f32
          %broadcast_in_dim3A_789 = vector.broadcast %add3A_788 : f32 to vector<16xf32>
          %mul3A_790 = arith.constant 16 : i32
          %mul3A_791 = arith.muli %scan3A_740, %mul3A_790 : i32
          %get3A_792 = arith.index_cast %scan3A_786 : i32 to index
          %get3A_793 = arith.index_cast %mul3A_791 : i32 to index
          %get3A_794 = tpu.vector_load %arg4[%get3A_792, %get3A_793] {strides = array<i32>} : memref<64x512xf32, #tpu.memory_space<vmem>>, vector<1x16xf32>,
          %get3A_795 = vector.shape_cast %get3A_794 : vector<1x16xf32> to vector<16xf32>
          %mul3A_796 = arith.mulf %get3A_795, %broadcast_in_dim3A_789 : vector<16xf32>
          %min3A_797 = arith.minimumf %min3A_784, %mul3A_796 : vector<16xf32>
          %scan3A_798 = arith.constant 3 : i32
          %scan3A_799 = arith.addi %scan3A_760, %scan3A_798 : i32
          %convert_element_type3A_800 = arith.sitofp %scan3A_799 : i32 to f32
          %add3A_801 = arith.addf %sub3A_698, %convert_element_type3A_800 : f32
          %broadcast_in_dim3A_802 = vector.broadcast %add3A_801 : f32 to vector<16xf32>
          %mul3A_803 = arith.constant 16 : i32
          %mul3A_804 = arith.muli %scan3A_740, %mul3A_803 : i32
          %get3A_805 = arith.index_cast %scan3A_799 : i32 to index
          %get3A_806 = arith.index_cast %mul3A_804 : i32 to index
          %get3A_807 = tpu.vector_load %arg4[%get3A_805, %get3A_806] {strides = array<i32>} : memref<64x512xf32, #tpu.memory_space<vmem>>, vector<1x16xf32>,
          %get3A_808 = vector.shape_cast %get3A_807 : vector<1x16xf32> to vector<16xf32>
          %mul3A_809 = arith.mulf %get3A_808, %broadcast_in_dim3A_802 : vector<16xf32>
          %min3A_810 = arith.minimumf %min3A_797, %mul3A_809 : vector<16xf32>
          %scan3A_811 = arith.constant 4 : i32
          %scan3A_812 = arith.addi %scan3A_760, %scan3A_811 : i32
          %convert_element_type3A_813 = arith.sitofp %scan3A_812 : i32 to f32
          %add3A_814 = arith.addf %sub3A_698, %convert_element_type3A_813 : f32
          %broadcast_in_dim3A_815 = vector.broadcast %add3A_814 : f32 to vector<16xf32>
          %mul3A_816 = arith.constant 16 : i32
          %mul3A_817 = arith.muli %scan3A_740, %mul3A_816 : i32
          %get3A_818 = arith.index_cast %scan3A_812 : i32 to index
          %get3A_819 = arith.index_cast %mul3A_817 : i32 to index
          %get3A_820 = tpu.vector_load %arg4[%get3A_818, %get3A_819] {strides = array<i32>} : memref<64x512xf32, #tpu.memory_space<vmem>>, vector<1x16xf32>,
          %get3A_821 = vector.shape_cast %get3A_820 : vector<1x16xf32> to vector<16xf32>
          %mul3A_822 = arith.mulf %get3A_821, %broadcast_in_dim3A_815 : vector<16xf32>
          %min3A_823 = arith.minimumf %min3A_810, %mul3A_822 : vector<16xf32>
          %scan3A_824 = arith.constant 5 : i32
          %scan3A_825 = arith.addi %scan3A_760, %scan3A_824 : i32
          %convert_element_type3A_826 = arith.sitofp %scan3A_825 : i32 to f32
          %add3A_827 = arith.addf %sub3A_698, %convert_element_type3A_826 : f32
          %broadcast_in_dim3A_828 = vector.broadcast %add3A_827 : f32 to vector<16xf32>
          %mul3A_829 = arith.constant 16 : i32
          %mul3A_830 = arith.muli %scan3A_740, %mul3A_829 : i32
          %get3A_831 = arith.index_cast %scan3A_825 : i32 to index
          %get3A_832 = arith.index_cast %mul3A_830 : i32 to index
          %get3A_833 = tpu.vector_load %arg4[%get3A_831, %get3A_832] {strides = array<i32>} : memref<64x512xf32, #tpu.memory_space<vmem>>, vector<1x16xf32>,
          %get3A_834 = vector.shape_cast %get3A_833 : vector<1x16xf32> to vector<16xf32>
          %mul3A_835 = arith.mulf %get3A_834, %broadcast_in_dim3A_828 : vector<16xf32>
          %min3A_836 = arith.minimumf %min3A_823, %mul3A_835 : vector<16xf32>
          %scan3A_837 = arith.constant 6 : i32
          %scan3A_838 = arith.addi %scan3A_760, %scan3A_837 : i32
          %convert_element_type3A_839 = arith.sitofp %scan3A_838 : i32 to f32
          %add3A_840 = arith.addf %sub3A_698, %convert_element_type3A_839 : f32
          %broadcast_in_dim3A_841 = vector.broadcast %add3A_840 : f32 to vector<16xf32>
          %mul3A_842 = arith.constant 16 : i32
          %mul3A_843 = arith.muli %scan3A_740, %mul3A_842 : i32
          %get3A_844 = arith.index_cast %scan3A_838 : i32 to index
          %get3A_845 = arith.index_cast %mul3A_843 : i32 to index
          %get3A_846 = tpu.vector_load %arg4[%get3A_844, %get3A_845] {strides = array<i32>} : memref<64x512xf32, #tpu.memory_space<vmem>>, vector<1x16xf32>,
          %get3A_847 = vector.shape_cast %get3A_846 : vector<1x16xf32> to vector<16xf32>
          %mul3A_848 = arith.mulf %get3A_847, %broadcast_in_dim3A_841 : vector<16xf32>
          %min3A_849 = arith.minimumf %min3A_836, %mul3A_848 : vector<16xf32>
          %scan3A_850 = arith.constant 7 : i32
          %scan3A_851 = arith.addi %scan3A_760, %scan3A_850 : i32
          %convert_element_type3A_852 = arith.sitofp %scan3A_851 : i32 to f32
          %add3A_853 = arith.addf %sub3A_698, %convert_element_type3A_852 : f32
          %broadcast_in_dim3A_854 = vector.broadcast %add3A_853 : f32 to vector<16xf32>
          %mul3A_855 = arith.constant 16 : i32
          %mul3A_856 = arith.muli %scan3A_740, %mul3A_855 : i32
          %get3A_857 = arith.index_cast %scan3A_851 : i32 to index
          %get3A_858 = arith.index_cast %mul3A_856 : i32 to index
          %get3A_859 = tpu.vector_load %arg4[%get3A_857, %get3A_858] {strides = array<i32>} : memref<64x512xf32, #tpu.memory_space<vmem>>, vector<1x16xf32>,
          %get3A_860 = vector.shape_cast %get3A_859 : vector<1x16xf32> to vector<16xf32>
          %mul3A_861 = arith.mulf %get3A_860, %broadcast_in_dim3A_854 : vector<16xf32>
          %min3A_862 = arith.minimumf %min3A_849, %mul3A_861 : vector<16xf32>
          scf.yield %min3A_862 : vector<16xf32>
        }
        %scan3A_752 = arith.constant 64 : i32
        %mul3A_753 = arith.constant 16 : i32
        %mul3A_754 = arith.muli %scan3A_740, %mul3A_753 : i32
        %swap3A_755 = arith.index_cast %mul3A_754 : i32 to index
        %swap3A_756 = tpu.vector_load %arg6[%swap3A_755] {strides = array<i32>} : memref<512xf32, #tpu.memory_space<vmem>>, vector<16xf32>,
        %swap3A_757 = vector.shape_cast %swap3A_756 : vector<16xf32> to vector<16xf32>
        %swap3A_758 = vector.shape_cast %scan3A_751 : vector<16xf32> to vector<16xf32>
        tpu.vector_store %arg6[%swap3A_755], %swap3A_758 {strides = array<i32>} : memref<512xf32, #tpu.memory_space<vmem>>, vector<16xf32>,
        %scan3A_759 = arith.constant 0 : i32
        scf.yield %scan3A_759 : i32
      }
      %scan3A_705 = arith.constant 32 : i32
      %add3A_706 = arith.constant 2 : i32
      %add3A_707 = arith.addi %add3A_692, %add3A_706 : i32
      %lt3A_708 = arith.constant 32 : i32
      %lt3A_709 = arith.cmpi slt, %add3A_707, %lt3A_708 : i32
      %convert_element_type3A_710 = arith.extui %lt3A_709 : i1 to i32
      %cond3A = arith.constant 0 : i32
      %cond3A_711 = arith.cmpi ne, %convert_element_type3A_710, %cond3A : i32
      scf.if %cond3A_711 {
        %add3A_740 = arith.constant 2 : i32
        %add3A_741 = arith.addi %add3A_692, %add3A_740 : i32
        %mul3A_742 = arith.constant 64 : i32
        %mul3A_743 = arith.muli %add3A_741, %mul3A_742 : i32
        %dma_start3A_744 = tpu.memref_slice %arg2[%mul3A_743, %mul3A_2] : memref<2048x16384xf32, #tpu.memory_space<hbm>> -> memref<64x512xf32, #tpu.memory_space<hbm>>
        %dma_start3A_745 = tpu.memref_slice %arg2[%mul3A_743, %mul3A_2] : memref<2048x16384xf32, #tpu.memory_space<hbm>> -> memref<64x512xf32, #tpu.memory_space<hbm>>
        tpu.enqueue_dma source(%dma_start3A_745 : memref<64x512xf32, #tpu.memory_space<hbm>>) target(%arg4 : memref<64x512xf32, #tpu.memory_space<vmem>>) target_semaphore(%arg8 : memref<!tpu.dma_semaphore, #tpu.memory_space<semaphore_mem>>)
      } else {
      }
      %mul3A_712 = arith.constant 2 : i32
      %mul3A_713 = arith.muli %scan3A_687, %mul3A_712 : i32
      %add3A_714 = arith.constant 1 : i32
      %add3A_715 = arith.addi %mul3A_713, %add3A_714 : i32
      %mul3A_716 = arith.constant 64 : i32
      %mul3A_717 = arith.muli %add3A_715, %mul3A_716 : i32
      %dma_wait3A_718 = tpu.memref_slice %arg2[%mul3A_717, %mul3A_2] : memref<2048x16384xf32, #tpu.memory_space<hbm>> -> memref<64x512xf32, #tpu.memory_space<hbm>>
      %dma_wait3A_719 = tpu.memref_slice %arg2[%mul3A_717, %mul3A_2] : memref<2048x16384xf32, #tpu.memory_space<hbm>> -> memref<64x512xf32, #tpu.memory_space<hbm>>
      tpu.wait_dma2 semaphore(%arg9 : memref<!tpu.dma_semaphore, #tpu.memory_space<semaphore_mem>>) src(%dma_wait3A_719 : memref<64x512xf32, #tpu.memory_space<hbm>>) dst(%arg5 : memref<64x512xf32, #tpu.memory_space<vmem>>)
      %mul3A_720 = arith.constant 64 : i32
      %mul3A_721 = arith.muli %add3A_715, %mul3A_720 : i32
      %convert_element_type3A_722 = arith.sitofp %mul3A_721 : i32 to f32
      %sub3A_723 = arith.constant 4.096000e+03 : f32
      %sub3A_724 = arith.subf %convert_element_type3A_722, %sub3A_723 : f32
      %scan3A_725 = arith.constant 0 : i32
      %scan3A_726 = arith.constant 0 : i32
      %scan3A_727 = arith.constant 32 : i32
      %scan3A_728 = arith.addi %scan3A_726, %scan3A_727 : i32
      %scan3A_729 = arith.constant 1 : i32
      %scan3A_730 = scf.for %scan3A_740 = %scan3A_726 to %scan3A_728 step %scan3A_729 iter_args(%scan3A_741 = %scan3A_725) -> (i32)  : i32 {
        %mul3A_742 = arith.constant 16 : i32
        %mul3A_743 = arith.muli %scan3A_740, %mul3A_742 : i32
        %get3A_744 = arith.index_cast %mul3A_743 : i32 to index
        %get3A_745 = tpu.vector_load %arg6[%get3A_744] {strides = array<i32>} : memref<512xf32, #tpu.memory_space<vmem>>, vector<16xf32>,
        %get3A_746 = vector.shape_cast %get3A_745 : vector<16xf32> to vector<16xf32>
        %scan3A_747 = arith.constant 0 : i32
        %scan3A_748 = arith.constant 64 : i32
        %scan3A_749 = arith.addi %scan3A_747, %scan3A_748 : i32
        %scan3A_750 = arith.constant 8 : i32
        %scan3A_751 = scf.for %scan3A_760 = %scan3A_747 to %scan3A_749 step %scan3A_750 iter_args(%scan3A_761 = %get3A_746) -> (vector<16xf32>)  : i32 {
          %convert_element_type3A_762 = arith.sitofp %scan3A_760 : i32 to f32
          %add3A_763 = arith.addf %sub3A_724, %convert_element_type3A_762 : f32
          %broadcast_in_dim3A_764 = vector.broadcast %add3A_763 : f32 to vector<16xf32>
          %mul3A_765 = arith.constant 16 : i32
          %mul3A_766 = arith.muli %scan3A_740, %mul3A_765 : i32
          %get3A_767 = arith.index_cast %scan3A_760 : i32 to index
          %get3A_768 = arith.index_cast %mul3A_766 : i32 to index
          %get3A_769 = tpu.vector_load %arg5[%get3A_767, %get3A_768] {strides = array<i32>} : memref<64x512xf32, #tpu.memory_space<vmem>>, vector<1x16xf32>,
          %get3A_770 = vector.shape_cast %get3A_769 : vector<1x16xf32> to vector<16xf32>
          %mul3A_771 = arith.mulf %get3A_770, %broadcast_in_dim3A_764 : vector<16xf32>
          %min3A = arith.minimumf %scan3A_761, %mul3A_771 : vector<16xf32>
          %scan3A_772 = arith.constant 1 : i32
          %scan3A_773 = arith.addi %scan3A_760, %scan3A_772 : i32
          %convert_element_type3A_774 = arith.sitofp %scan3A_773 : i32 to f32
          %add3A_775 = arith.addf %sub3A_724, %convert_element_type3A_774 : f32
          %broadcast_in_dim3A_776 = vector.broadcast %add3A_775 : f32 to vector<16xf32>
          %mul3A_777 = arith.constant 16 : i32
          %mul3A_778 = arith.muli %scan3A_740, %mul3A_777 : i32
          %get3A_779 = arith.index_cast %scan3A_773 : i32 to index
          %get3A_780 = arith.index_cast %mul3A_778 : i32 to index
          %get3A_781 = tpu.vector_load %arg5[%get3A_779, %get3A_780] {strides = array<i32>} : memref<64x512xf32, #tpu.memory_space<vmem>>, vector<1x16xf32>,
          %get3A_782 = vector.shape_cast %get3A_781 : vector<1x16xf32> to vector<16xf32>
          %mul3A_783 = arith.mulf %get3A_782, %broadcast_in_dim3A_776 : vector<16xf32>
          %min3A_784 = arith.minimumf %min3A, %mul3A_783 : vector<16xf32>
          %scan3A_785 = arith.constant 2 : i32
          %scan3A_786 = arith.addi %scan3A_760, %scan3A_785 : i32
          %convert_element_type3A_787 = arith.sitofp %scan3A_786 : i32 to f32
          %add3A_788 = arith.addf %sub3A_724, %convert_element_type3A_787 : f32
          %broadcast_in_dim3A_789 = vector.broadcast %add3A_788 : f32 to vector<16xf32>
          %mul3A_790 = arith.constant 16 : i32
          %mul3A_791 = arith.muli %scan3A_740, %mul3A_790 : i32
          %get3A_792 = arith.index_cast %scan3A_786 : i32 to index
          %get3A_793 = arith.index_cast %mul3A_791 : i32 to index
          %get3A_794 = tpu.vector_load %arg5[%get3A_792, %get3A_793] {strides = array<i32>} : memref<64x512xf32, #tpu.memory_space<vmem>>, vector<1x16xf32>,
          %get3A_795 = vector.shape_cast %get3A_794 : vector<1x16xf32> to vector<16xf32>
          %mul3A_796 = arith.mulf %get3A_795, %broadcast_in_dim3A_789 : vector<16xf32>
          %min3A_797 = arith.minimumf %min3A_784, %mul3A_796 : vector<16xf32>
          %scan3A_798 = arith.constant 3 : i32
          %scan3A_799 = arith.addi %scan3A_760, %scan3A_798 : i32
          %convert_element_type3A_800 = arith.sitofp %scan3A_799 : i32 to f32
          %add3A_801 = arith.addf %sub3A_724, %convert_element_type3A_800 : f32
          %broadcast_in_dim3A_802 = vector.broadcast %add3A_801 : f32 to vector<16xf32>
          %mul3A_803 = arith.constant 16 : i32
          %mul3A_804 = arith.muli %scan3A_740, %mul3A_803 : i32
          %get3A_805 = arith.index_cast %scan3A_799 : i32 to index
          %get3A_806 = arith.index_cast %mul3A_804 : i32 to index
          %get3A_807 = tpu.vector_load %arg5[%get3A_805, %get3A_806] {strides = array<i32>} : memref<64x512xf32, #tpu.memory_space<vmem>>, vector<1x16xf32>,
          %get3A_808 = vector.shape_cast %get3A_807 : vector<1x16xf32> to vector<16xf32>
          %mul3A_809 = arith.mulf %get3A_808, %broadcast_in_dim3A_802 : vector<16xf32>
          %min3A_810 = arith.minimumf %min3A_797, %mul3A_809 : vector<16xf32>
          %scan3A_811 = arith.constant 4 : i32
          %scan3A_812 = arith.addi %scan3A_760, %scan3A_811 : i32
          %convert_element_type3A_813 = arith.sitofp %scan3A_812 : i32 to f32
          %add3A_814 = arith.addf %sub3A_724, %convert_element_type3A_813 : f32
          %broadcast_in_dim3A_815 = vector.broadcast %add3A_814 : f32 to vector<16xf32>
          %mul3A_816 = arith.constant 16 : i32
          %mul3A_817 = arith.muli %scan3A_740, %mul3A_816 : i32
          %get3A_818 = arith.index_cast %scan3A_812 : i32 to index
          %get3A_819 = arith.index_cast %mul3A_817 : i32 to index
          %get3A_820 = tpu.vector_load %arg5[%get3A_818, %get3A_819] {strides = array<i32>} : memref<64x512xf32, #tpu.memory_space<vmem>>, vector<1x16xf32>,
          %get3A_821 = vector.shape_cast %get3A_820 : vector<1x16xf32> to vector<16xf32>
          %mul3A_822 = arith.mulf %get3A_821, %broadcast_in_dim3A_815 : vector<16xf32>
          %min3A_823 = arith.minimumf %min3A_810, %mul3A_822 : vector<16xf32>
          %scan3A_824 = arith.constant 5 : i32
          %scan3A_825 = arith.addi %scan3A_760, %scan3A_824 : i32
          %convert_element_type3A_826 = arith.sitofp %scan3A_825 : i32 to f32
          %add3A_827 = arith.addf %sub3A_724, %convert_element_type3A_826 : f32
          %broadcast_in_dim3A_828 = vector.broadcast %add3A_827 : f32 to vector<16xf32>
          %mul3A_829 = arith.constant 16 : i32
          %mul3A_830 = arith.muli %scan3A_740, %mul3A_829 : i32
          %get3A_831 = arith.index_cast %scan3A_825 : i32 to index
          %get3A_832 = arith.index_cast %mul3A_830 : i32 to index
          %get3A_833 = tpu.vector_load %arg5[%get3A_831, %get3A_832] {strides = array<i32>} : memref<64x512xf32, #tpu.memory_space<vmem>>, vector<1x16xf32>,
          %get3A_834 = vector.shape_cast %get3A_833 : vector<1x16xf32> to vector<16xf32>
          %mul3A_835 = arith.mulf %get3A_834, %broadcast_in_dim3A_828 : vector<16xf32>
          %min3A_836 = arith.minimumf %min3A_823, %mul3A_835 : vector<16xf32>
          %scan3A_837 = arith.constant 6 : i32
          %scan3A_838 = arith.addi %scan3A_760, %scan3A_837 : i32
          %convert_element_type3A_839 = arith.sitofp %scan3A_838 : i32 to f32
          %add3A_840 = arith.addf %sub3A_724, %convert_element_type3A_839 : f32
          %broadcast_in_dim3A_841 = vector.broadcast %add3A_840 : f32 to vector<16xf32>
          %mul3A_842 = arith.constant 16 : i32
          %mul3A_843 = arith.muli %scan3A_740, %mul3A_842 : i32
          %get3A_844 = arith.index_cast %scan3A_838 : i32 to index
          %get3A_845 = arith.index_cast %mul3A_843 : i32 to index
          %get3A_846 = tpu.vector_load %arg5[%get3A_844, %get3A_845] {strides = array<i32>} : memref<64x512xf32, #tpu.memory_space<vmem>>, vector<1x16xf32>,
          %get3A_847 = vector.shape_cast %get3A_846 : vector<1x16xf32> to vector<16xf32>
          %mul3A_848 = arith.mulf %get3A_847, %broadcast_in_dim3A_841 : vector<16xf32>
          %min3A_849 = arith.minimumf %min3A_836, %mul3A_848 : vector<16xf32>
          %scan3A_850 = arith.constant 7 : i32
          %scan3A_851 = arith.addi %scan3A_760, %scan3A_850 : i32
          %convert_element_type3A_852 = arith.sitofp %scan3A_851 : i32 to f32
          %add3A_853 = arith.addf %sub3A_724, %convert_element_type3A_852 : f32
          %broadcast_in_dim3A_854 = vector.broadcast %add3A_853 : f32 to vector<16xf32>
          %mul3A_855 = arith.constant 16 : i32
          %mul3A_856 = arith.muli %scan3A_740, %mul3A_855 : i32
          %get3A_857 = arith.index_cast %scan3A_851 : i32 to index
          %get3A_858 = arith.index_cast %mul3A_856 : i32 to index
          %get3A_859 = tpu.vector_load %arg5[%get3A_857, %get3A_858] {strides = array<i32>} : memref<64x512xf32, #tpu.memory_space<vmem>>, vector<1x16xf32>,
          %get3A_860 = vector.shape_cast %get3A_859 : vector<1x16xf32> to vector<16xf32>
          %mul3A_861 = arith.mulf %get3A_860, %broadcast_in_dim3A_854 : vector<16xf32>
          %min3A_862 = arith.minimumf %min3A_849, %mul3A_861 : vector<16xf32>
          scf.yield %min3A_862 : vector<16xf32>
        }
        %scan3A_752 = arith.constant 64 : i32
        %mul3A_753 = arith.constant 16 : i32
        %mul3A_754 = arith.muli %scan3A_740, %mul3A_753 : i32
        %swap3A_755 = arith.index_cast %mul3A_754 : i32 to index
        %swap3A_756 = tpu.vector_load %arg6[%swap3A_755] {strides = array<i32>} : memref<512xf32, #tpu.memory_space<vmem>>, vector<16xf32>,
        %swap3A_757 = vector.shape_cast %swap3A_756 : vector<16xf32> to vector<16xf32>
        %swap3A_758 = vector.shape_cast %scan3A_751 : vector<16xf32> to vector<16xf32>
        tpu.vector_store %arg6[%swap3A_755], %swap3A_758 {strides = array<i32>} : memref<512xf32, #tpu.memory_space<vmem>>, vector<16xf32>,
        %scan3A_759 = arith.constant 0 : i32
        scf.yield %scan3A_759 : i32
      }
      %scan3A_731 = arith.constant 32 : i32
      %add3A_732 = arith.constant 2 : i32
      %add3A_733 = arith.addi %add3A_715, %add3A_732 : i32
      %lt3A_734 = arith.constant 32 : i32
      %lt3A_735 = arith.cmpi slt, %add3A_733, %lt3A_734 : i32
      %convert_element_type3A_736 = arith.extui %lt3A_735 : i1 to i32
      %cond3A_737 = arith.constant 0 : i32
      %cond3A_738 = arith.cmpi ne, %convert_element_type3A_736, %cond3A_737 : i32
      scf.if %cond3A_738 {
        %add3A_740 = arith.constant 2 : i32
        %add3A_741 = arith.addi %add3A_715, %add3A_740 : i32
        %mul3A_742 = arith.constant 64 : i32
        %mul3A_743 = arith.muli %add3A_741, %mul3A_742 : i32
        %dma_start3A_744 = tpu.memref_slice %arg2[%mul3A_743, %mul3A_2] : memref<2048x16384xf32, #tpu.memory_space<hbm>> -> memref<64x512xf32, #tpu.memory_space<hbm>>
        %dma_start3A_745 = tpu.memref_slice %arg2[%mul3A_743, %mul3A_2] : memref<2048x16384xf32, #tpu.memory_space<hbm>> -> memref<64x512xf32, #tpu.memory_space<hbm>>
        tpu.enqueue_dma source(%dma_start3A_745 : memref<64x512xf32, #tpu.memory_space<hbm>>) target(%arg5 : memref<64x512xf32, #tpu.memory_space<vmem>>) target_semaphore(%arg9 : memref<!tpu.dma_semaphore, #tpu.memory_space<semaphore_mem>>)
      } else {
      }
      %scan3A_739 = arith.constant 0 : i32
      scf.yield %scan3A_739 : i32
    }
    %scan3A_143 = arith.constant 16 : i32
    %broadcast_in_dim3A_144 = arith.constant 0x7F800000 : f32
    %broadcast_in_dim3A_145 = vector.broadcast %broadcast_in_dim3A_144 : f32 to vector<16xf32>
    %get3A = arith.constant 0 : index
    %get3A_146 = tpu.vector_load %arg6[%get3A] {strides = array<i32>} : memref<512xf32, #tpu.memory_space<vmem>>, vector<16xf32>,
    %get3A_147 = vector.shape_cast %get3A_146 : vector<16xf32> to vector<16xf32>
    %lt3A = arith.constant 0.000000e+00 : f32
    %lt3A_148 = vector.broadcast %lt3A : f32 to vector<16xf32>
    %lt3A_149 = arith.cmpf olt, %get3A_147, %lt3A_148 : vector<16xf32>
    %add3A_150 = arith.constant 4.096000e+03 : f32
    %add3A_151 = vector.broadcast %add3A_150 : f32 to vector<16xf32>
    %add3A_152 = arith.addf %get3A_147, %add3A_151 : vector<16xf32>
    %mul3A_153 = arith.constant 1.000000e-03 : f32
    %mul3A_154 = vector.broadcast %mul3A_153 : f32 to vector<16xf32>
    %mul3A_155 = arith.mulf %add3A_152, %mul3A_154 : vector<16xf32>
    %select_n3A = arith.select %lt3A_149, %mul3A_155, %broadcast_in_dim3A_145 : vector<16xi1>, vector<16xf32>
    %swap3A_156 = arith.constant 0 : index
    %swap3A_157 = tpu.vector_load %arg7[%swap3A_156] {strides = array<i32>} : memref<512xf32, #tpu.memory_space<vmem>>, vector<16xf32>,
    %swap3A_158 = vector.shape_cast %swap3A_157 : vector<16xf32> to vector<16xf32>
    %swap3A_159 = vector.shape_cast %select_n3A : vector<16xf32> to vector<16xf32>
    tpu.vector_store %arg7[%swap3A_156], %swap3A_159 {strides = array<i32>} : memref<512xf32, #tpu.memory_space<vmem>>, vector<16xf32>,
    %get3A_160 = arith.constant 16 : index
    %get3A_161 = tpu.vector_load %arg6[%get3A_160] {strides = array<i32>} : memref<512xf32, #tpu.memory_space<vmem>>, vector<16xf32>,
    %get3A_162 = vector.shape_cast %get3A_161 : vector<16xf32> to vector<16xf32>
    %lt3A_163 = arith.constant 0.000000e+00 : f32
    %lt3A_164 = vector.broadcast %lt3A_163 : f32 to vector<16xf32>
    %lt3A_165 = arith.cmpf olt, %get3A_162, %lt3A_164 : vector<16xf32>
    %add3A_166 = arith.constant 4.096000e+03 : f32
    %add3A_167 = vector.broadcast %add3A_166 : f32 to vector<16xf32>
    %add3A_168 = arith.addf %get3A_162, %add3A_167 : vector<16xf32>
    %mul3A_169 = arith.constant 1.000000e-03 : f32
    %mul3A_170 = vector.broadcast %mul3A_169 : f32 to vector<16xf32>
    %mul3A_171 = arith.mulf %add3A_168, %mul3A_170 : vector<16xf32>
    %select_n3A_172 = arith.select %lt3A_165, %mul3A_171, %broadcast_in_dim3A_145 : vector<16xi1>, vector<16xf32>
    %swap3A_173 = arith.constant 16 : index
    %swap3A_174 = tpu.vector_load %arg7[%swap3A_173] {strides = array<i32>} : memref<512xf32, #tpu.memory_space<vmem>>, vector<16xf32>,
    %swap3A_175 = vector.shape_cast %swap3A_174 : vector<16xf32> to vector<16xf32>
    %swap3A_176 = vector.shape_cast %select_n3A_172 : vector<16xf32> to vector<16xf32>
    tpu.vector_store %arg7[%swap3A_173], %swap3A_176 {strides = array<i32>} : memref<512xf32, #tpu.memory_space<vmem>>, vector<16xf32>,
    %get3A_177 = arith.constant 32 : index
    %get3A_178 = tpu.vector_load %arg6[%get3A_177] {strides = array<i32>} : memref<512xf32, #tpu.memory_space<vmem>>, vector<16xf32>,
    %get3A_179 = vector.shape_cast %get3A_178 : vector<16xf32> to vector<16xf32>
    %lt3A_180 = arith.constant 0.000000e+00 : f32
    %lt3A_181 = vector.broadcast %lt3A_180 : f32 to vector<16xf32>
    %lt3A_182 = arith.cmpf olt, %get3A_179, %lt3A_181 : vector<16xf32>
    %add3A_183 = arith.constant 4.096000e+03 : f32
    %add3A_184 = vector.broadcast %add3A_183 : f32 to vector<16xf32>
    %add3A_185 = arith.addf %get3A_179, %add3A_184 : vector<16xf32>
    %mul3A_186 = arith.constant 1.000000e-03 : f32
    %mul3A_187 = vector.broadcast %mul3A_186 : f32 to vector<16xf32>
    %mul3A_188 = arith.mulf %add3A_185, %mul3A_187 : vector<16xf32>
    %select_n3A_189 = arith.select %lt3A_182, %mul3A_188, %broadcast_in_dim3A_145 : vector<16xi1>, vector<16xf32>
    %swap3A_190 = arith.constant 32 : index
    %swap3A_191 = tpu.vector_load %arg7[%swap3A_190] {strides = array<i32>} : memref<512xf32, #tpu.memory_space<vmem>>, vector<16xf32>,
    %swap3A_192 = vector.shape_cast %swap3A_191 : vector<16xf32> to vector<16xf32>
    %swap3A_193 = vector.shape_cast %select_n3A_189 : vector<16xf32> to vector<16xf32>
    tpu.vector_store %arg7[%swap3A_190], %swap3A_193 {strides = array<i32>} : memref<512xf32, #tpu.memory_space<vmem>>, vector<16xf32>,
    %get3A_194 = arith.constant 48 : index
    %get3A_195 = tpu.vector_load %arg6[%get3A_194] {strides = array<i32>} : memref<512xf32, #tpu.memory_space<vmem>>, vector<16xf32>,
    %get3A_196 = vector.shape_cast %get3A_195 : vector<16xf32> to vector<16xf32>
    %lt3A_197 = arith.constant 0.000000e+00 : f32
    %lt3A_198 = vector.broadcast %lt3A_197 : f32 to vector<16xf32>
    %lt3A_199 = arith.cmpf olt, %get3A_196, %lt3A_198 : vector<16xf32>
    %add3A_200 = arith.constant 4.096000e+03 : f32
    %add3A_201 = vector.broadcast %add3A_200 : f32 to vector<16xf32>
    %add3A_202 = arith.addf %get3A_196, %add3A_201 : vector<16xf32>
    %mul3A_203 = arith.constant 1.000000e-03 : f32
    %mul3A_204 = vector.broadcast %mul3A_203 : f32 to vector<16xf32>
    %mul3A_205 = arith.mulf %add3A_202, %mul3A_204 : vector<16xf32>
    %select_n3A_206 = arith.select %lt3A_199, %mul3A_205, %broadcast_in_dim3A_145 : vector<16xi1>, vector<16xf32>
    %swap3A_207 = arith.constant 48 : index
    %swap3A_208 = tpu.vector_load %arg7[%swap3A_207] {strides = array<i32>} : memref<512xf32, #tpu.memory_space<vmem>>, vector<16xf32>,
    %swap3A_209 = vector.shape_cast %swap3A_208 : vector<16xf32> to vector<16xf32>
    %swap3A_210 = vector.shape_cast %select_n3A_206 : vector<16xf32> to vector<16xf32>
    tpu.vector_store %arg7[%swap3A_207], %swap3A_210 {strides = array<i32>} : memref<512xf32, #tpu.memory_space<vmem>>, vector<16xf32>,
    %get3A_211 = arith.constant 64 : index
    %get3A_212 = tpu.vector_load %arg6[%get3A_211] {strides = array<i32>} : memref<512xf32, #tpu.memory_space<vmem>>, vector<16xf32>,
    %get3A_213 = vector.shape_cast %get3A_212 : vector<16xf32> to vector<16xf32>
    %lt3A_214 = arith.constant 0.000000e+00 : f32
    %lt3A_215 = vector.broadcast %lt3A_214 : f32 to vector<16xf32>
    %lt3A_216 = arith.cmpf olt, %get3A_213, %lt3A_215 : vector<16xf32>
    %add3A_217 = arith.constant 4.096000e+03 : f32
    %add3A_218 = vector.broadcast %add3A_217 : f32 to vector<16xf32>
    %add3A_219 = arith.addf %get3A_213, %add3A_218 : vector<16xf32>
    %mul3A_220 = arith.constant 1.000000e-03 : f32
    %mul3A_221 = vector.broadcast %mul3A_220 : f32 to vector<16xf32>
    %mul3A_222 = arith.mulf %add3A_219, %mul3A_221 : vector<16xf32>
    %select_n3A_223 = arith.select %lt3A_216, %mul3A_222, %broadcast_in_dim3A_145 : vector<16xi1>, vector<16xf32>
    %swap3A_224 = arith.constant 64 : index
    %swap3A_225 = tpu.vector_load %arg7[%swap3A_224] {strides = array<i32>} : memref<512xf32, #tpu.memory_space<vmem>>, vector<16xf32>,
    %swap3A_226 = vector.shape_cast %swap3A_225 : vector<16xf32> to vector<16xf32>
    %swap3A_227 = vector.shape_cast %select_n3A_223 : vector<16xf32> to vector<16xf32>
    tpu.vector_store %arg7[%swap3A_224], %swap3A_227 {strides = array<i32>} : memref<512xf32, #tpu.memory_space<vmem>>, vector<16xf32>,
    %get3A_228 = arith.constant 80 : index
    %get3A_229 = tpu.vector_load %arg6[%get3A_228] {strides = array<i32>} : memref<512xf32, #tpu.memory_space<vmem>>, vector<16xf32>,
    %get3A_230 = vector.shape_cast %get3A_229 : vector<16xf32> to vector<16xf32>
    %lt3A_231 = arith.constant 0.000000e+00 : f32
    %lt3A_232 = vector.broadcast %lt3A_231 : f32 to vector<16xf32>
    %lt3A_233 = arith.cmpf olt, %get3A_230, %lt3A_232 : vector<16xf32>
    %add3A_234 = arith.constant 4.096000e+03 : f32
    %add3A_235 = vector.broadcast %add3A_234 : f32 to vector<16xf32>
    %add3A_236 = arith.addf %get3A_230, %add3A_235 : vector<16xf32>
    %mul3A_237 = arith.constant 1.000000e-03 : f32
    %mul3A_238 = vector.broadcast %mul3A_237 : f32 to vector<16xf32>
    %mul3A_239 = arith.mulf %add3A_236, %mul3A_238 : vector<16xf32>
    %select_n3A_240 = arith.select %lt3A_233, %mul3A_239, %broadcast_in_dim3A_145 : vector<16xi1>, vector<16xf32>
    %swap3A_241 = arith.constant 80 : index
    %swap3A_242 = tpu.vector_load %arg7[%swap3A_241] {strides = array<i32>} : memref<512xf32, #tpu.memory_space<vmem>>, vector<16xf32>,
    %swap3A_243 = vector.shape_cast %swap3A_242 : vector<16xf32> to vector<16xf32>
    %swap3A_244 = vector.shape_cast %select_n3A_240 : vector<16xf32> to vector<16xf32>
    tpu.vector_store %arg7[%swap3A_241], %swap3A_244 {strides = array<i32>} : memref<512xf32, #tpu.memory_space<vmem>>, vector<16xf32>,
    %get3A_245 = arith.constant 96 : index
    %get3A_246 = tpu.vector_load %arg6[%get3A_245] {strides = array<i32>} : memref<512xf32, #tpu.memory_space<vmem>>, vector<16xf32>,
    %get3A_247 = vector.shape_cast %get3A_246 : vector<16xf32> to vector<16xf32>
    %lt3A_248 = arith.constant 0.000000e+00 : f32
    %lt3A_249 = vector.broadcast %lt3A_248 : f32 to vector<16xf32>
    %lt3A_250 = arith.cmpf olt, %get3A_247, %lt3A_249 : vector<16xf32>
    %add3A_251 = arith.constant 4.096000e+03 : f32
    %add3A_252 = vector.broadcast %add3A_251 : f32 to vector<16xf32>
    %add3A_253 = arith.addf %get3A_247, %add3A_252 : vector<16xf32>
    %mul3A_254 = arith.constant 1.000000e-03 : f32
    %mul3A_255 = vector.broadcast %mul3A_254 : f32 to vector<16xf32>
    %mul3A_256 = arith.mulf %add3A_253, %mul3A_255 : vector<16xf32>
    %select_n3A_257 = arith.select %lt3A_250, %mul3A_256, %broadcast_in_dim3A_145 : vector<16xi1>, vector<16xf32>
    %swap3A_258 = arith.constant 96 : index
    %swap3A_259 = tpu.vector_load %arg7[%swap3A_258] {strides = array<i32>} : memref<512xf32, #tpu.memory_space<vmem>>, vector<16xf32>,
    %swap3A_260 = vector.shape_cast %swap3A_259 : vector<16xf32> to vector<16xf32>
    %swap3A_261 = vector.shape_cast %select_n3A_257 : vector<16xf32> to vector<16xf32>
    tpu.vector_store %arg7[%swap3A_258], %swap3A_261 {strides = array<i32>} : memref<512xf32, #tpu.memory_space<vmem>>, vector<16xf32>,
    %get3A_262 = arith.constant 112 : index
    %get3A_263 = tpu.vector_load %arg6[%get3A_262] {strides = array<i32>} : memref<512xf32, #tpu.memory_space<vmem>>, vector<16xf32>,
    %get3A_264 = vector.shape_cast %get3A_263 : vector<16xf32> to vector<16xf32>
    %lt3A_265 = arith.constant 0.000000e+00 : f32
    %lt3A_266 = vector.broadcast %lt3A_265 : f32 to vector<16xf32>
    %lt3A_267 = arith.cmpf olt, %get3A_264, %lt3A_266 : vector<16xf32>
    %add3A_268 = arith.constant 4.096000e+03 : f32
    %add3A_269 = vector.broadcast %add3A_268 : f32 to vector<16xf32>
    %add3A_270 = arith.addf %get3A_264, %add3A_269 : vector<16xf32>
    %mul3A_271 = arith.constant 1.000000e-03 : f32
    %mul3A_272 = vector.broadcast %mul3A_271 : f32 to vector<16xf32>
    %mul3A_273 = arith.mulf %add3A_270, %mul3A_272 : vector<16xf32>
    %select_n3A_274 = arith.select %lt3A_267, %mul3A_273, %broadcast_in_dim3A_145 : vector<16xi1>, vector<16xf32>
    %swap3A_275 = arith.constant 112 : index
    %swap3A_276 = tpu.vector_load %arg7[%swap3A_275] {strides = array<i32>} : memref<512xf32, #tpu.memory_space<vmem>>, vector<16xf32>,
    %swap3A_277 = vector.shape_cast %swap3A_276 : vector<16xf32> to vector<16xf32>
    %swap3A_278 = vector.shape_cast %select_n3A_274 : vector<16xf32> to vector<16xf32>
    tpu.vector_store %arg7[%swap3A_275], %swap3A_278 {strides = array<i32>} : memref<512xf32, #tpu.memory_space<vmem>>, vector<16xf32>,
    %get3A_279 = arith.constant 128 : index
    %get3A_280 = tpu.vector_load %arg6[%get3A_279] {strides = array<i32>} : memref<512xf32, #tpu.memory_space<vmem>>, vector<16xf32>,
    %get3A_281 = vector.shape_cast %get3A_280 : vector<16xf32> to vector<16xf32>
    %lt3A_282 = arith.constant 0.000000e+00 : f32
    %lt3A_283 = vector.broadcast %lt3A_282 : f32 to vector<16xf32>
    %lt3A_284 = arith.cmpf olt, %get3A_281, %lt3A_283 : vector<16xf32>
    %add3A_285 = arith.constant 4.096000e+03 : f32
    %add3A_286 = vector.broadcast %add3A_285 : f32 to vector<16xf32>
    %add3A_287 = arith.addf %get3A_281, %add3A_286 : vector<16xf32>
    %mul3A_288 = arith.constant 1.000000e-03 : f32
    %mul3A_289 = vector.broadcast %mul3A_288 : f32 to vector<16xf32>
    %mul3A_290 = arith.mulf %add3A_287, %mul3A_289 : vector<16xf32>
    %select_n3A_291 = arith.select %lt3A_284, %mul3A_290, %broadcast_in_dim3A_145 : vector<16xi1>, vector<16xf32>
    %swap3A_292 = arith.constant 128 : index
    %swap3A_293 = tpu.vector_load %arg7[%swap3A_292] {strides = array<i32>} : memref<512xf32, #tpu.memory_space<vmem>>, vector<16xf32>,
    %swap3A_294 = vector.shape_cast %swap3A_293 : vector<16xf32> to vector<16xf32>
    %swap3A_295 = vector.shape_cast %select_n3A_291 : vector<16xf32> to vector<16xf32>
    tpu.vector_store %arg7[%swap3A_292], %swap3A_295 {strides = array<i32>} : memref<512xf32, #tpu.memory_space<vmem>>, vector<16xf32>,
    %get3A_296 = arith.constant 144 : index
    %get3A_297 = tpu.vector_load %arg6[%get3A_296] {strides = array<i32>} : memref<512xf32, #tpu.memory_space<vmem>>, vector<16xf32>,
    %get3A_298 = vector.shape_cast %get3A_297 : vector<16xf32> to vector<16xf32>
    %lt3A_299 = arith.constant 0.000000e+00 : f32
    %lt3A_300 = vector.broadcast %lt3A_299 : f32 to vector<16xf32>
    %lt3A_301 = arith.cmpf olt, %get3A_298, %lt3A_300 : vector<16xf32>
    %add3A_302 = arith.constant 4.096000e+03 : f32
    %add3A_303 = vector.broadcast %add3A_302 : f32 to vector<16xf32>
    %add3A_304 = arith.addf %get3A_298, %add3A_303 : vector<16xf32>
    %mul3A_305 = arith.constant 1.000000e-03 : f32
    %mul3A_306 = vector.broadcast %mul3A_305 : f32 to vector<16xf32>
    %mul3A_307 = arith.mulf %add3A_304, %mul3A_306 : vector<16xf32>
    %select_n3A_308 = arith.select %lt3A_301, %mul3A_307, %broadcast_in_dim3A_145 : vector<16xi1>, vector<16xf32>
    %swap3A_309 = arith.constant 144 : index
    %swap3A_310 = tpu.vector_load %arg7[%swap3A_309] {strides = array<i32>} : memref<512xf32, #tpu.memory_space<vmem>>, vector<16xf32>,
    %swap3A_311 = vector.shape_cast %swap3A_310 : vector<16xf32> to vector<16xf32>
    %swap3A_312 = vector.shape_cast %select_n3A_308 : vector<16xf32> to vector<16xf32>
    tpu.vector_store %arg7[%swap3A_309], %swap3A_312 {strides = array<i32>} : memref<512xf32, #tpu.memory_space<vmem>>, vector<16xf32>,
    %get3A_313 = arith.constant 160 : index
    %get3A_314 = tpu.vector_load %arg6[%get3A_313] {strides = array<i32>} : memref<512xf32, #tpu.memory_space<vmem>>, vector<16xf32>,
    %get3A_315 = vector.shape_cast %get3A_314 : vector<16xf32> to vector<16xf32>
    %lt3A_316 = arith.constant 0.000000e+00 : f32
    %lt3A_317 = vector.broadcast %lt3A_316 : f32 to vector<16xf32>
    %lt3A_318 = arith.cmpf olt, %get3A_315, %lt3A_317 : vector<16xf32>
    %add3A_319 = arith.constant 4.096000e+03 : f32
    %add3A_320 = vector.broadcast %add3A_319 : f32 to vector<16xf32>
    %add3A_321 = arith.addf %get3A_315, %add3A_320 : vector<16xf32>
    %mul3A_322 = arith.constant 1.000000e-03 : f32
    %mul3A_323 = vector.broadcast %mul3A_322 : f32 to vector<16xf32>
    %mul3A_324 = arith.mulf %add3A_321, %mul3A_323 : vector<16xf32>
    %select_n3A_325 = arith.select %lt3A_318, %mul3A_324, %broadcast_in_dim3A_145 : vector<16xi1>, vector<16xf32>
    %swap3A_326 = arith.constant 160 : index
    %swap3A_327 = tpu.vector_load %arg7[%swap3A_326] {strides = array<i32>} : memref<512xf32, #tpu.memory_space<vmem>>, vector<16xf32>,
    %swap3A_328 = vector.shape_cast %swap3A_327 : vector<16xf32> to vector<16xf32>
    %swap3A_329 = vector.shape_cast %select_n3A_325 : vector<16xf32> to vector<16xf32>
    tpu.vector_store %arg7[%swap3A_326], %swap3A_329 {strides = array<i32>} : memref<512xf32, #tpu.memory_space<vmem>>, vector<16xf32>,
    %get3A_330 = arith.constant 176 : index
    %get3A_331 = tpu.vector_load %arg6[%get3A_330] {strides = array<i32>} : memref<512xf32, #tpu.memory_space<vmem>>, vector<16xf32>,
    %get3A_332 = vector.shape_cast %get3A_331 : vector<16xf32> to vector<16xf32>
    %lt3A_333 = arith.constant 0.000000e+00 : f32
    %lt3A_334 = vector.broadcast %lt3A_333 : f32 to vector<16xf32>
    %lt3A_335 = arith.cmpf olt, %get3A_332, %lt3A_334 : vector<16xf32>
    %add3A_336 = arith.constant 4.096000e+03 : f32
    %add3A_337 = vector.broadcast %add3A_336 : f32 to vector<16xf32>
    %add3A_338 = arith.addf %get3A_332, %add3A_337 : vector<16xf32>
    %mul3A_339 = arith.constant 1.000000e-03 : f32
    %mul3A_340 = vector.broadcast %mul3A_339 : f32 to vector<16xf32>
    %mul3A_341 = arith.mulf %add3A_338, %mul3A_340 : vector<16xf32>
    %select_n3A_342 = arith.select %lt3A_335, %mul3A_341, %broadcast_in_dim3A_145 : vector<16xi1>, vector<16xf32>
    %swap3A_343 = arith.constant 176 : index
    %swap3A_344 = tpu.vector_load %arg7[%swap3A_343] {strides = array<i32>} : memref<512xf32, #tpu.memory_space<vmem>>, vector<16xf32>,
    %swap3A_345 = vector.shape_cast %swap3A_344 : vector<16xf32> to vector<16xf32>
    %swap3A_346 = vector.shape_cast %select_n3A_342 : vector<16xf32> to vector<16xf32>
    tpu.vector_store %arg7[%swap3A_343], %swap3A_346 {strides = array<i32>} : memref<512xf32, #tpu.memory_space<vmem>>, vector<16xf32>,
    %get3A_347 = arith.constant 192 : index
    %get3A_348 = tpu.vector_load %arg6[%get3A_347] {strides = array<i32>} : memref<512xf32, #tpu.memory_space<vmem>>, vector<16xf32>,
    %get3A_349 = vector.shape_cast %get3A_348 : vector<16xf32> to vector<16xf32>
    %lt3A_350 = arith.constant 0.000000e+00 : f32
    %lt3A_351 = vector.broadcast %lt3A_350 : f32 to vector<16xf32>
    %lt3A_352 = arith.cmpf olt, %get3A_349, %lt3A_351 : vector<16xf32>
    %add3A_353 = arith.constant 4.096000e+03 : f32
    %add3A_354 = vector.broadcast %add3A_353 : f32 to vector<16xf32>
    %add3A_355 = arith.addf %get3A_349, %add3A_354 : vector<16xf32>
    %mul3A_356 = arith.constant 1.000000e-03 : f32
    %mul3A_357 = vector.broadcast %mul3A_356 : f32 to vector<16xf32>
    %mul3A_358 = arith.mulf %add3A_355, %mul3A_357 : vector<16xf32>
    %select_n3A_359 = arith.select %lt3A_352, %mul3A_358, %broadcast_in_dim3A_145 : vector<16xi1>, vector<16xf32>
    %swap3A_360 = arith.constant 192 : index
    %swap3A_361 = tpu.vector_load %arg7[%swap3A_360] {strides = array<i32>} : memref<512xf32, #tpu.memory_space<vmem>>, vector<16xf32>,
    %swap3A_362 = vector.shape_cast %swap3A_361 : vector<16xf32> to vector<16xf32>
    %swap3A_363 = vector.shape_cast %select_n3A_359 : vector<16xf32> to vector<16xf32>
    tpu.vector_store %arg7[%swap3A_360], %swap3A_363 {strides = array<i32>} : memref<512xf32, #tpu.memory_space<vmem>>, vector<16xf32>,
    %get3A_364 = arith.constant 208 : index
    %get3A_365 = tpu.vector_load %arg6[%get3A_364] {strides = array<i32>} : memref<512xf32, #tpu.memory_space<vmem>>, vector<16xf32>,
    %get3A_366 = vector.shape_cast %get3A_365 : vector<16xf32> to vector<16xf32>
    %lt3A_367 = arith.constant 0.000000e+00 : f32
    %lt3A_368 = vector.broadcast %lt3A_367 : f32 to vector<16xf32>
    %lt3A_369 = arith.cmpf olt, %get3A_366, %lt3A_368 : vector<16xf32>
    %add3A_370 = arith.constant 4.096000e+03 : f32
    %add3A_371 = vector.broadcast %add3A_370 : f32 to vector<16xf32>
    %add3A_372 = arith.addf %get3A_366, %add3A_371 : vector<16xf32>
    %mul3A_373 = arith.constant 1.000000e-03 : f32
    %mul3A_374 = vector.broadcast %mul3A_373 : f32 to vector<16xf32>
    %mul3A_375 = arith.mulf %add3A_372, %mul3A_374 : vector<16xf32>
    %select_n3A_376 = arith.select %lt3A_369, %mul3A_375, %broadcast_in_dim3A_145 : vector<16xi1>, vector<16xf32>
    %swap3A_377 = arith.constant 208 : index
    %swap3A_378 = tpu.vector_load %arg7[%swap3A_377] {strides = array<i32>} : memref<512xf32, #tpu.memory_space<vmem>>, vector<16xf32>,
    %swap3A_379 = vector.shape_cast %swap3A_378 : vector<16xf32> to vector<16xf32>
    %swap3A_380 = vector.shape_cast %select_n3A_376 : vector<16xf32> to vector<16xf32>
    tpu.vector_store %arg7[%swap3A_377], %swap3A_380 {strides = array<i32>} : memref<512xf32, #tpu.memory_space<vmem>>, vector<16xf32>,
    %get3A_381 = arith.constant 224 : index
    %get3A_382 = tpu.vector_load %arg6[%get3A_381] {strides = array<i32>} : memref<512xf32, #tpu.memory_space<vmem>>, vector<16xf32>,
    %get3A_383 = vector.shape_cast %get3A_382 : vector<16xf32> to vector<16xf32>
    %lt3A_384 = arith.constant 0.000000e+00 : f32
    %lt3A_385 = vector.broadcast %lt3A_384 : f32 to vector<16xf32>
    %lt3A_386 = arith.cmpf olt, %get3A_383, %lt3A_385 : vector<16xf32>
    %add3A_387 = arith.constant 4.096000e+03 : f32
    %add3A_388 = vector.broadcast %add3A_387 : f32 to vector<16xf32>
    %add3A_389 = arith.addf %get3A_383, %add3A_388 : vector<16xf32>
    %mul3A_390 = arith.constant 1.000000e-03 : f32
    %mul3A_391 = vector.broadcast %mul3A_390 : f32 to vector<16xf32>
    %mul3A_392 = arith.mulf %add3A_389, %mul3A_391 : vector<16xf32>
    %select_n3A_393 = arith.select %lt3A_386, %mul3A_392, %broadcast_in_dim3A_145 : vector<16xi1>, vector<16xf32>
    %swap3A_394 = arith.constant 224 : index
    %swap3A_395 = tpu.vector_load %arg7[%swap3A_394] {strides = array<i32>} : memref<512xf32, #tpu.memory_space<vmem>>, vector<16xf32>,
    %swap3A_396 = vector.shape_cast %swap3A_395 : vector<16xf32> to vector<16xf32>
    %swap3A_397 = vector.shape_cast %select_n3A_393 : vector<16xf32> to vector<16xf32>
    tpu.vector_store %arg7[%swap3A_394], %swap3A_397 {strides = array<i32>} : memref<512xf32, #tpu.memory_space<vmem>>, vector<16xf32>,
    %get3A_398 = arith.constant 240 : index
    %get3A_399 = tpu.vector_load %arg6[%get3A_398] {strides = array<i32>} : memref<512xf32, #tpu.memory_space<vmem>>, vector<16xf32>,
    %get3A_400 = vector.shape_cast %get3A_399 : vector<16xf32> to vector<16xf32>
    %lt3A_401 = arith.constant 0.000000e+00 : f32
    %lt3A_402 = vector.broadcast %lt3A_401 : f32 to vector<16xf32>
    %lt3A_403 = arith.cmpf olt, %get3A_400, %lt3A_402 : vector<16xf32>
    %add3A_404 = arith.constant 4.096000e+03 : f32
    %add3A_405 = vector.broadcast %add3A_404 : f32 to vector<16xf32>
    %add3A_406 = arith.addf %get3A_400, %add3A_405 : vector<16xf32>
    %mul3A_407 = arith.constant 1.000000e-03 : f32
    %mul3A_408 = vector.broadcast %mul3A_407 : f32 to vector<16xf32>
    %mul3A_409 = arith.mulf %add3A_406, %mul3A_408 : vector<16xf32>
    %select_n3A_410 = arith.select %lt3A_403, %mul3A_409, %broadcast_in_dim3A_145 : vector<16xi1>, vector<16xf32>
    %swap3A_411 = arith.constant 240 : index
    %swap3A_412 = tpu.vector_load %arg7[%swap3A_411] {strides = array<i32>} : memref<512xf32, #tpu.memory_space<vmem>>, vector<16xf32>,
    %swap3A_413 = vector.shape_cast %swap3A_412 : vector<16xf32> to vector<16xf32>
    %swap3A_414 = vector.shape_cast %select_n3A_410 : vector<16xf32> to vector<16xf32>
    tpu.vector_store %arg7[%swap3A_411], %swap3A_414 {strides = array<i32>} : memref<512xf32, #tpu.memory_space<vmem>>, vector<16xf32>,
    %get3A_415 = arith.constant 256 : index
    %get3A_416 = tpu.vector_load %arg6[%get3A_415] {strides = array<i32>} : memref<512xf32, #tpu.memory_space<vmem>>, vector<16xf32>,
    %get3A_417 = vector.shape_cast %get3A_416 : vector<16xf32> to vector<16xf32>
    %lt3A_418 = arith.constant 0.000000e+00 : f32
    %lt3A_419 = vector.broadcast %lt3A_418 : f32 to vector<16xf32>
    %lt3A_420 = arith.cmpf olt, %get3A_417, %lt3A_419 : vector<16xf32>
    %add3A_421 = arith.constant 4.096000e+03 : f32
    %add3A_422 = vector.broadcast %add3A_421 : f32 to vector<16xf32>
    %add3A_423 = arith.addf %get3A_417, %add3A_422 : vector<16xf32>
    %mul3A_424 = arith.constant 1.000000e-03 : f32
    %mul3A_425 = vector.broadcast %mul3A_424 : f32 to vector<16xf32>
    %mul3A_426 = arith.mulf %add3A_423, %mul3A_425 : vector<16xf32>
    %select_n3A_427 = arith.select %lt3A_420, %mul3A_426, %broadcast_in_dim3A_145 : vector<16xi1>, vector<16xf32>
    %swap3A_428 = arith.constant 256 : index
    %swap3A_429 = tpu.vector_load %arg7[%swap3A_428] {strides = array<i32>} : memref<512xf32, #tpu.memory_space<vmem>>, vector<16xf32>,
    %swap3A_430 = vector.shape_cast %swap3A_429 : vector<16xf32> to vector<16xf32>
    %swap3A_431 = vector.shape_cast %select_n3A_427 : vector<16xf32> to vector<16xf32>
    tpu.vector_store %arg7[%swap3A_428], %swap3A_431 {strides = array<i32>} : memref<512xf32, #tpu.memory_space<vmem>>, vector<16xf32>,
    %get3A_432 = arith.constant 272 : index
    %get3A_433 = tpu.vector_load %arg6[%get3A_432] {strides = array<i32>} : memref<512xf32, #tpu.memory_space<vmem>>, vector<16xf32>,
    %get3A_434 = vector.shape_cast %get3A_433 : vector<16xf32> to vector<16xf32>
    %lt3A_435 = arith.constant 0.000000e+00 : f32
    %lt3A_436 = vector.broadcast %lt3A_435 : f32 to vector<16xf32>
    %lt3A_437 = arith.cmpf olt, %get3A_434, %lt3A_436 : vector<16xf32>
    %add3A_438 = arith.constant 4.096000e+03 : f32
    %add3A_439 = vector.broadcast %add3A_438 : f32 to vector<16xf32>
    %add3A_440 = arith.addf %get3A_434, %add3A_439 : vector<16xf32>
    %mul3A_441 = arith.constant 1.000000e-03 : f32
    %mul3A_442 = vector.broadcast %mul3A_441 : f32 to vector<16xf32>
    %mul3A_443 = arith.mulf %add3A_440, %mul3A_442 : vector<16xf32>
    %select_n3A_444 = arith.select %lt3A_437, %mul3A_443, %broadcast_in_dim3A_145 : vector<16xi1>, vector<16xf32>
    %swap3A_445 = arith.constant 272 : index
    %swap3A_446 = tpu.vector_load %arg7[%swap3A_445] {strides = array<i32>} : memref<512xf32, #tpu.memory_space<vmem>>, vector<16xf32>,
    %swap3A_447 = vector.shape_cast %swap3A_446 : vector<16xf32> to vector<16xf32>
    %swap3A_448 = vector.shape_cast %select_n3A_444 : vector<16xf32> to vector<16xf32>
    tpu.vector_store %arg7[%swap3A_445], %swap3A_448 {strides = array<i32>} : memref<512xf32, #tpu.memory_space<vmem>>, vector<16xf32>,
    %get3A_449 = arith.constant 288 : index
    %get3A_450 = tpu.vector_load %arg6[%get3A_449] {strides = array<i32>} : memref<512xf32, #tpu.memory_space<vmem>>, vector<16xf32>,
    %get3A_451 = vector.shape_cast %get3A_450 : vector<16xf32> to vector<16xf32>
    %lt3A_452 = arith.constant 0.000000e+00 : f32
    %lt3A_453 = vector.broadcast %lt3A_452 : f32 to vector<16xf32>
    %lt3A_454 = arith.cmpf olt, %get3A_451, %lt3A_453 : vector<16xf32>
    %add3A_455 = arith.constant 4.096000e+03 : f32
    %add3A_456 = vector.broadcast %add3A_455 : f32 to vector<16xf32>
    %add3A_457 = arith.addf %get3A_451, %add3A_456 : vector<16xf32>
    %mul3A_458 = arith.constant 1.000000e-03 : f32
    %mul3A_459 = vector.broadcast %mul3A_458 : f32 to vector<16xf32>
    %mul3A_460 = arith.mulf %add3A_457, %mul3A_459 : vector<16xf32>
    %select_n3A_461 = arith.select %lt3A_454, %mul3A_460, %broadcast_in_dim3A_145 : vector<16xi1>, vector<16xf32>
    %swap3A_462 = arith.constant 288 : index
    %swap3A_463 = tpu.vector_load %arg7[%swap3A_462] {strides = array<i32>} : memref<512xf32, #tpu.memory_space<vmem>>, vector<16xf32>,
    %swap3A_464 = vector.shape_cast %swap3A_463 : vector<16xf32> to vector<16xf32>
    %swap3A_465 = vector.shape_cast %select_n3A_461 : vector<16xf32> to vector<16xf32>
    tpu.vector_store %arg7[%swap3A_462], %swap3A_465 {strides = array<i32>} : memref<512xf32, #tpu.memory_space<vmem>>, vector<16xf32>,
    %get3A_466 = arith.constant 304 : index
    %get3A_467 = tpu.vector_load %arg6[%get3A_466] {strides = array<i32>} : memref<512xf32, #tpu.memory_space<vmem>>, vector<16xf32>,
    %get3A_468 = vector.shape_cast %get3A_467 : vector<16xf32> to vector<16xf32>
    %lt3A_469 = arith.constant 0.000000e+00 : f32
    %lt3A_470 = vector.broadcast %lt3A_469 : f32 to vector<16xf32>
    %lt3A_471 = arith.cmpf olt, %get3A_468, %lt3A_470 : vector<16xf32>
    %add3A_472 = arith.constant 4.096000e+03 : f32
    %add3A_473 = vector.broadcast %add3A_472 : f32 to vector<16xf32>
    %add3A_474 = arith.addf %get3A_468, %add3A_473 : vector<16xf32>
    %mul3A_475 = arith.constant 1.000000e-03 : f32
    %mul3A_476 = vector.broadcast %mul3A_475 : f32 to vector<16xf32>
    %mul3A_477 = arith.mulf %add3A_474, %mul3A_476 : vector<16xf32>
    %select_n3A_478 = arith.select %lt3A_471, %mul3A_477, %broadcast_in_dim3A_145 : vector<16xi1>, vector<16xf32>
    %swap3A_479 = arith.constant 304 : index
    %swap3A_480 = tpu.vector_load %arg7[%swap3A_479] {strides = array<i32>} : memref<512xf32, #tpu.memory_space<vmem>>, vector<16xf32>,
    %swap3A_481 = vector.shape_cast %swap3A_480 : vector<16xf32> to vector<16xf32>
    %swap3A_482 = vector.shape_cast %select_n3A_478 : vector<16xf32> to vector<16xf32>
    tpu.vector_store %arg7[%swap3A_479], %swap3A_482 {strides = array<i32>} : memref<512xf32, #tpu.memory_space<vmem>>, vector<16xf32>,
    %get3A_483 = arith.constant 320 : index
    %get3A_484 = tpu.vector_load %arg6[%get3A_483] {strides = array<i32>} : memref<512xf32, #tpu.memory_space<vmem>>, vector<16xf32>,
    %get3A_485 = vector.shape_cast %get3A_484 : vector<16xf32> to vector<16xf32>
    %lt3A_486 = arith.constant 0.000000e+00 : f32
    %lt3A_487 = vector.broadcast %lt3A_486 : f32 to vector<16xf32>
    %lt3A_488 = arith.cmpf olt, %get3A_485, %lt3A_487 : vector<16xf32>
    %add3A_489 = arith.constant 4.096000e+03 : f32
    %add3A_490 = vector.broadcast %add3A_489 : f32 to vector<16xf32>
    %add3A_491 = arith.addf %get3A_485, %add3A_490 : vector<16xf32>
    %mul3A_492 = arith.constant 1.000000e-03 : f32
    %mul3A_493 = vector.broadcast %mul3A_492 : f32 to vector<16xf32>
    %mul3A_494 = arith.mulf %add3A_491, %mul3A_493 : vector<16xf32>
    %select_n3A_495 = arith.select %lt3A_488, %mul3A_494, %broadcast_in_dim3A_145 : vector<16xi1>, vector<16xf32>
    %swap3A_496 = arith.constant 320 : index
    %swap3A_497 = tpu.vector_load %arg7[%swap3A_496] {strides = array<i32>} : memref<512xf32, #tpu.memory_space<vmem>>, vector<16xf32>,
    %swap3A_498 = vector.shape_cast %swap3A_497 : vector<16xf32> to vector<16xf32>
    %swap3A_499 = vector.shape_cast %select_n3A_495 : vector<16xf32> to vector<16xf32>
    tpu.vector_store %arg7[%swap3A_496], %swap3A_499 {strides = array<i32>} : memref<512xf32, #tpu.memory_space<vmem>>, vector<16xf32>,
    %get3A_500 = arith.constant 336 : index
    %get3A_501 = tpu.vector_load %arg6[%get3A_500] {strides = array<i32>} : memref<512xf32, #tpu.memory_space<vmem>>, vector<16xf32>,
    %get3A_502 = vector.shape_cast %get3A_501 : vector<16xf32> to vector<16xf32>
    %lt3A_503 = arith.constant 0.000000e+00 : f32
    %lt3A_504 = vector.broadcast %lt3A_503 : f32 to vector<16xf32>
    %lt3A_505 = arith.cmpf olt, %get3A_502, %lt3A_504 : vector<16xf32>
    %add3A_506 = arith.constant 4.096000e+03 : f32
    %add3A_507 = vector.broadcast %add3A_506 : f32 to vector<16xf32>
    %add3A_508 = arith.addf %get3A_502, %add3A_507 : vector<16xf32>
    %mul3A_509 = arith.constant 1.000000e-03 : f32
    %mul3A_510 = vector.broadcast %mul3A_509 : f32 to vector<16xf32>
    %mul3A_511 = arith.mulf %add3A_508, %mul3A_510 : vector<16xf32>
    %select_n3A_512 = arith.select %lt3A_505, %mul3A_511, %broadcast_in_dim3A_145 : vector<16xi1>, vector<16xf32>
    %swap3A_513 = arith.constant 336 : index
    %swap3A_514 = tpu.vector_load %arg7[%swap3A_513] {strides = array<i32>} : memref<512xf32, #tpu.memory_space<vmem>>, vector<16xf32>,
    %swap3A_515 = vector.shape_cast %swap3A_514 : vector<16xf32> to vector<16xf32>
    %swap3A_516 = vector.shape_cast %select_n3A_512 : vector<16xf32> to vector<16xf32>
    tpu.vector_store %arg7[%swap3A_513], %swap3A_516 {strides = array<i32>} : memref<512xf32, #tpu.memory_space<vmem>>, vector<16xf32>,
    %get3A_517 = arith.constant 352 : index
    %get3A_518 = tpu.vector_load %arg6[%get3A_517] {strides = array<i32>} : memref<512xf32, #tpu.memory_space<vmem>>, vector<16xf32>,
    %get3A_519 = vector.shape_cast %get3A_518 : vector<16xf32> to vector<16xf32>
    %lt3A_520 = arith.constant 0.000000e+00 : f32
    %lt3A_521 = vector.broadcast %lt3A_520 : f32 to vector<16xf32>
    %lt3A_522 = arith.cmpf olt, %get3A_519, %lt3A_521 : vector<16xf32>
    %add3A_523 = arith.constant 4.096000e+03 : f32
    %add3A_524 = vector.broadcast %add3A_523 : f32 to vector<16xf32>
    %add3A_525 = arith.addf %get3A_519, %add3A_524 : vector<16xf32>
    %mul3A_526 = arith.constant 1.000000e-03 : f32
    %mul3A_527 = vector.broadcast %mul3A_526 : f32 to vector<16xf32>
    %mul3A_528 = arith.mulf %add3A_525, %mul3A_527 : vector<16xf32>
    %select_n3A_529 = arith.select %lt3A_522, %mul3A_528, %broadcast_in_dim3A_145 : vector<16xi1>, vector<16xf32>
    %swap3A_530 = arith.constant 352 : index
    %swap3A_531 = tpu.vector_load %arg7[%swap3A_530] {strides = array<i32>} : memref<512xf32, #tpu.memory_space<vmem>>, vector<16xf32>,
    %swap3A_532 = vector.shape_cast %swap3A_531 : vector<16xf32> to vector<16xf32>
    %swap3A_533 = vector.shape_cast %select_n3A_529 : vector<16xf32> to vector<16xf32>
    tpu.vector_store %arg7[%swap3A_530], %swap3A_533 {strides = array<i32>} : memref<512xf32, #tpu.memory_space<vmem>>, vector<16xf32>,
    %get3A_534 = arith.constant 368 : index
    %get3A_535 = tpu.vector_load %arg6[%get3A_534] {strides = array<i32>} : memref<512xf32, #tpu.memory_space<vmem>>, vector<16xf32>,
    %get3A_536 = vector.shape_cast %get3A_535 : vector<16xf32> to vector<16xf32>
    %lt3A_537 = arith.constant 0.000000e+00 : f32
    %lt3A_538 = vector.broadcast %lt3A_537 : f32 to vector<16xf32>
    %lt3A_539 = arith.cmpf olt, %get3A_536, %lt3A_538 : vector<16xf32>
    %add3A_540 = arith.constant 4.096000e+03 : f32
    %add3A_541 = vector.broadcast %add3A_540 : f32 to vector<16xf32>
    %add3A_542 = arith.addf %get3A_536, %add3A_541 : vector<16xf32>
    %mul3A_543 = arith.constant 1.000000e-03 : f32
    %mul3A_544 = vector.broadcast %mul3A_543 : f32 to vector<16xf32>
    %mul3A_545 = arith.mulf %add3A_542, %mul3A_544 : vector<16xf32>
    %select_n3A_546 = arith.select %lt3A_539, %mul3A_545, %broadcast_in_dim3A_145 : vector<16xi1>, vector<16xf32>
    %swap3A_547 = arith.constant 368 : index
    %swap3A_548 = tpu.vector_load %arg7[%swap3A_547] {strides = array<i32>} : memref<512xf32, #tpu.memory_space<vmem>>, vector<16xf32>,
    %swap3A_549 = vector.shape_cast %swap3A_548 : vector<16xf32> to vector<16xf32>
    %swap3A_550 = vector.shape_cast %select_n3A_546 : vector<16xf32> to vector<16xf32>
    tpu.vector_store %arg7[%swap3A_547], %swap3A_550 {strides = array<i32>} : memref<512xf32, #tpu.memory_space<vmem>>, vector<16xf32>,
    %get3A_551 = arith.constant 384 : index
    %get3A_552 = tpu.vector_load %arg6[%get3A_551] {strides = array<i32>} : memref<512xf32, #tpu.memory_space<vmem>>, vector<16xf32>,
    %get3A_553 = vector.shape_cast %get3A_552 : vector<16xf32> to vector<16xf32>
    %lt3A_554 = arith.constant 0.000000e+00 : f32
    %lt3A_555 = vector.broadcast %lt3A_554 : f32 to vector<16xf32>
    %lt3A_556 = arith.cmpf olt, %get3A_553, %lt3A_555 : vector<16xf32>
    %add3A_557 = arith.constant 4.096000e+03 : f32
    %add3A_558 = vector.broadcast %add3A_557 : f32 to vector<16xf32>
    %add3A_559 = arith.addf %get3A_553, %add3A_558 : vector<16xf32>
    %mul3A_560 = arith.constant 1.000000e-03 : f32
    %mul3A_561 = vector.broadcast %mul3A_560 : f32 to vector<16xf32>
    %mul3A_562 = arith.mulf %add3A_559, %mul3A_561 : vector<16xf32>
    %select_n3A_563 = arith.select %lt3A_556, %mul3A_562, %broadcast_in_dim3A_145 : vector<16xi1>, vector<16xf32>
    %swap3A_564 = arith.constant 384 : index
    %swap3A_565 = tpu.vector_load %arg7[%swap3A_564] {strides = array<i32>} : memref<512xf32, #tpu.memory_space<vmem>>, vector<16xf32>,
    %swap3A_566 = vector.shape_cast %swap3A_565 : vector<16xf32> to vector<16xf32>
    %swap3A_567 = vector.shape_cast %select_n3A_563 : vector<16xf32> to vector<16xf32>
    tpu.vector_store %arg7[%swap3A_564], %swap3A_567 {strides = array<i32>} : memref<512xf32, #tpu.memory_space<vmem>>, vector<16xf32>,
    %get3A_568 = arith.constant 400 : index
    %get3A_569 = tpu.vector_load %arg6[%get3A_568] {strides = array<i32>} : memref<512xf32, #tpu.memory_space<vmem>>, vector<16xf32>,
    %get3A_570 = vector.shape_cast %get3A_569 : vector<16xf32> to vector<16xf32>
    %lt3A_571 = arith.constant 0.000000e+00 : f32
    %lt3A_572 = vector.broadcast %lt3A_571 : f32 to vector<16xf32>
    %lt3A_573 = arith.cmpf olt, %get3A_570, %lt3A_572 : vector<16xf32>
    %add3A_574 = arith.constant 4.096000e+03 : f32
    %add3A_575 = vector.broadcast %add3A_574 : f32 to vector<16xf32>
    %add3A_576 = arith.addf %get3A_570, %add3A_575 : vector<16xf32>
    %mul3A_577 = arith.constant 1.000000e-03 : f32
    %mul3A_578 = vector.broadcast %mul3A_577 : f32 to vector<16xf32>
    %mul3A_579 = arith.mulf %add3A_576, %mul3A_578 : vector<16xf32>
    %select_n3A_580 = arith.select %lt3A_573, %mul3A_579, %broadcast_in_dim3A_145 : vector<16xi1>, vector<16xf32>
    %swap3A_581 = arith.constant 400 : index
    %swap3A_582 = tpu.vector_load %arg7[%swap3A_581] {strides = array<i32>} : memref<512xf32, #tpu.memory_space<vmem>>, vector<16xf32>,
    %swap3A_583 = vector.shape_cast %swap3A_582 : vector<16xf32> to vector<16xf32>
    %swap3A_584 = vector.shape_cast %select_n3A_580 : vector<16xf32> to vector<16xf32>
    tpu.vector_store %arg7[%swap3A_581], %swap3A_584 {strides = array<i32>} : memref<512xf32, #tpu.memory_space<vmem>>, vector<16xf32>,
    %get3A_585 = arith.constant 416 : index
    %get3A_586 = tpu.vector_load %arg6[%get3A_585] {strides = array<i32>} : memref<512xf32, #tpu.memory_space<vmem>>, vector<16xf32>,
    %get3A_587 = vector.shape_cast %get3A_586 : vector<16xf32> to vector<16xf32>
    %lt3A_588 = arith.constant 0.000000e+00 : f32
    %lt3A_589 = vector.broadcast %lt3A_588 : f32 to vector<16xf32>
    %lt3A_590 = arith.cmpf olt, %get3A_587, %lt3A_589 : vector<16xf32>
    %add3A_591 = arith.constant 4.096000e+03 : f32
    %add3A_592 = vector.broadcast %add3A_591 : f32 to vector<16xf32>
    %add3A_593 = arith.addf %get3A_587, %add3A_592 : vector<16xf32>
    %mul3A_594 = arith.constant 1.000000e-03 : f32
    %mul3A_595 = vector.broadcast %mul3A_594 : f32 to vector<16xf32>
    %mul3A_596 = arith.mulf %add3A_593, %mul3A_595 : vector<16xf32>
    %select_n3A_597 = arith.select %lt3A_590, %mul3A_596, %broadcast_in_dim3A_145 : vector<16xi1>, vector<16xf32>
    %swap3A_598 = arith.constant 416 : index
    %swap3A_599 = tpu.vector_load %arg7[%swap3A_598] {strides = array<i32>} : memref<512xf32, #tpu.memory_space<vmem>>, vector<16xf32>,
    %swap3A_600 = vector.shape_cast %swap3A_599 : vector<16xf32> to vector<16xf32>
    %swap3A_601 = vector.shape_cast %select_n3A_597 : vector<16xf32> to vector<16xf32>
    tpu.vector_store %arg7[%swap3A_598], %swap3A_601 {strides = array<i32>} : memref<512xf32, #tpu.memory_space<vmem>>, vector<16xf32>,
    %get3A_602 = arith.constant 432 : index
    %get3A_603 = tpu.vector_load %arg6[%get3A_602] {strides = array<i32>} : memref<512xf32, #tpu.memory_space<vmem>>, vector<16xf32>,
    %get3A_604 = vector.shape_cast %get3A_603 : vector<16xf32> to vector<16xf32>
    %lt3A_605 = arith.constant 0.000000e+00 : f32
    %lt3A_606 = vector.broadcast %lt3A_605 : f32 to vector<16xf32>
    %lt3A_607 = arith.cmpf olt, %get3A_604, %lt3A_606 : vector<16xf32>
    %add3A_608 = arith.constant 4.096000e+03 : f32
    %add3A_609 = vector.broadcast %add3A_608 : f32 to vector<16xf32>
    %add3A_610 = arith.addf %get3A_604, %add3A_609 : vector<16xf32>
    %mul3A_611 = arith.constant 1.000000e-03 : f32
    %mul3A_612 = vector.broadcast %mul3A_611 : f32 to vector<16xf32>
    %mul3A_613 = arith.mulf %add3A_610, %mul3A_612 : vector<16xf32>
    %select_n3A_614 = arith.select %lt3A_607, %mul3A_613, %broadcast_in_dim3A_145 : vector<16xi1>, vector<16xf32>
    %swap3A_615 = arith.constant 432 : index
    %swap3A_616 = tpu.vector_load %arg7[%swap3A_615] {strides = array<i32>} : memref<512xf32, #tpu.memory_space<vmem>>, vector<16xf32>,
    %swap3A_617 = vector.shape_cast %swap3A_616 : vector<16xf32> to vector<16xf32>
    %swap3A_618 = vector.shape_cast %select_n3A_614 : vector<16xf32> to vector<16xf32>
    tpu.vector_store %arg7[%swap3A_615], %swap3A_618 {strides = array<i32>} : memref<512xf32, #tpu.memory_space<vmem>>, vector<16xf32>,
    %get3A_619 = arith.constant 448 : index
    %get3A_620 = tpu.vector_load %arg6[%get3A_619] {strides = array<i32>} : memref<512xf32, #tpu.memory_space<vmem>>, vector<16xf32>,
    %get3A_621 = vector.shape_cast %get3A_620 : vector<16xf32> to vector<16xf32>
    %lt3A_622 = arith.constant 0.000000e+00 : f32
    %lt3A_623 = vector.broadcast %lt3A_622 : f32 to vector<16xf32>
    %lt3A_624 = arith.cmpf olt, %get3A_621, %lt3A_623 : vector<16xf32>
    %add3A_625 = arith.constant 4.096000e+03 : f32
    %add3A_626 = vector.broadcast %add3A_625 : f32 to vector<16xf32>
    %add3A_627 = arith.addf %get3A_621, %add3A_626 : vector<16xf32>
    %mul3A_628 = arith.constant 1.000000e-03 : f32
    %mul3A_629 = vector.broadcast %mul3A_628 : f32 to vector<16xf32>
    %mul3A_630 = arith.mulf %add3A_627, %mul3A_629 : vector<16xf32>
    %select_n3A_631 = arith.select %lt3A_624, %mul3A_630, %broadcast_in_dim3A_145 : vector<16xi1>, vector<16xf32>
    %swap3A_632 = arith.constant 448 : index
    %swap3A_633 = tpu.vector_load %arg7[%swap3A_632] {strides = array<i32>} : memref<512xf32, #tpu.memory_space<vmem>>, vector<16xf32>,
    %swap3A_634 = vector.shape_cast %swap3A_633 : vector<16xf32> to vector<16xf32>
    %swap3A_635 = vector.shape_cast %select_n3A_631 : vector<16xf32> to vector<16xf32>
    tpu.vector_store %arg7[%swap3A_632], %swap3A_635 {strides = array<i32>} : memref<512xf32, #tpu.memory_space<vmem>>, vector<16xf32>,
    %get3A_636 = arith.constant 464 : index
    %get3A_637 = tpu.vector_load %arg6[%get3A_636] {strides = array<i32>} : memref<512xf32, #tpu.memory_space<vmem>>, vector<16xf32>,
    %get3A_638 = vector.shape_cast %get3A_637 : vector<16xf32> to vector<16xf32>
    %lt3A_639 = arith.constant 0.000000e+00 : f32
    %lt3A_640 = vector.broadcast %lt3A_639 : f32 to vector<16xf32>
    %lt3A_641 = arith.cmpf olt, %get3A_638, %lt3A_640 : vector<16xf32>
    %add3A_642 = arith.constant 4.096000e+03 : f32
    %add3A_643 = vector.broadcast %add3A_642 : f32 to vector<16xf32>
    %add3A_644 = arith.addf %get3A_638, %add3A_643 : vector<16xf32>
    %mul3A_645 = arith.constant 1.000000e-03 : f32
    %mul3A_646 = vector.broadcast %mul3A_645 : f32 to vector<16xf32>
    %mul3A_647 = arith.mulf %add3A_644, %mul3A_646 : vector<16xf32>
    %select_n3A_648 = arith.select %lt3A_641, %mul3A_647, %broadcast_in_dim3A_145 : vector<16xi1>, vector<16xf32>
    %swap3A_649 = arith.constant 464 : index
    %swap3A_650 = tpu.vector_load %arg7[%swap3A_649] {strides = array<i32>} : memref<512xf32, #tpu.memory_space<vmem>>, vector<16xf32>,
    %swap3A_651 = vector.shape_cast %swap3A_650 : vector<16xf32> to vector<16xf32>
    %swap3A_652 = vector.shape_cast %select_n3A_648 : vector<16xf32> to vector<16xf32>
    tpu.vector_store %arg7[%swap3A_649], %swap3A_652 {strides = array<i32>} : memref<512xf32, #tpu.memory_space<vmem>>, vector<16xf32>,
    %get3A_653 = arith.constant 480 : index
    %get3A_654 = tpu.vector_load %arg6[%get3A_653] {strides = array<i32>} : memref<512xf32, #tpu.memory_space<vmem>>, vector<16xf32>,
    %get3A_655 = vector.shape_cast %get3A_654 : vector<16xf32> to vector<16xf32>
    %lt3A_656 = arith.constant 0.000000e+00 : f32
    %lt3A_657 = vector.broadcast %lt3A_656 : f32 to vector<16xf32>
    %lt3A_658 = arith.cmpf olt, %get3A_655, %lt3A_657 : vector<16xf32>
    %add3A_659 = arith.constant 4.096000e+03 : f32
    %add3A_660 = vector.broadcast %add3A_659 : f32 to vector<16xf32>
    %add3A_661 = arith.addf %get3A_655, %add3A_660 : vector<16xf32>
    %mul3A_662 = arith.constant 1.000000e-03 : f32
    %mul3A_663 = vector.broadcast %mul3A_662 : f32 to vector<16xf32>
    %mul3A_664 = arith.mulf %add3A_661, %mul3A_663 : vector<16xf32>
    %select_n3A_665 = arith.select %lt3A_658, %mul3A_664, %broadcast_in_dim3A_145 : vector<16xi1>, vector<16xf32>
    %swap3A_666 = arith.constant 480 : index
    %swap3A_667 = tpu.vector_load %arg7[%swap3A_666] {strides = array<i32>} : memref<512xf32, #tpu.memory_space<vmem>>, vector<16xf32>,
    %swap3A_668 = vector.shape_cast %swap3A_667 : vector<16xf32> to vector<16xf32>
    %swap3A_669 = vector.shape_cast %select_n3A_665 : vector<16xf32> to vector<16xf32>
    tpu.vector_store %arg7[%swap3A_666], %swap3A_669 {strides = array<i32>} : memref<512xf32, #tpu.memory_space<vmem>>, vector<16xf32>,
    %get3A_670 = arith.constant 496 : index
    %get3A_671 = tpu.vector_load %arg6[%get3A_670] {strides = array<i32>} : memref<512xf32, #tpu.memory_space<vmem>>, vector<16xf32>,
    %get3A_672 = vector.shape_cast %get3A_671 : vector<16xf32> to vector<16xf32>
    %lt3A_673 = arith.constant 0.000000e+00 : f32
    %lt3A_674 = vector.broadcast %lt3A_673 : f32 to vector<16xf32>
    %lt3A_675 = arith.cmpf olt, %get3A_672, %lt3A_674 : vector<16xf32>
    %add3A_676 = arith.constant 4.096000e+03 : f32
    %add3A_677 = vector.broadcast %add3A_676 : f32 to vector<16xf32>
    %add3A_678 = arith.addf %get3A_672, %add3A_677 : vector<16xf32>
    %mul3A_679 = arith.constant 1.000000e-03 : f32
    %mul3A_680 = vector.broadcast %mul3A_679 : f32 to vector<16xf32>
    %mul3A_681 = arith.mulf %add3A_678, %mul3A_680 : vector<16xf32>
    %select_n3A_682 = arith.select %lt3A_675, %mul3A_681, %broadcast_in_dim3A_145 : vector<16xi1>, vector<16xf32>
    %swap3A_683 = arith.constant 496 : index
    %swap3A_684 = tpu.vector_load %arg7[%swap3A_683] {strides = array<i32>} : memref<512xf32, #tpu.memory_space<vmem>>, vector<16xf32>,
    %swap3A_685 = vector.shape_cast %swap3A_684 : vector<16xf32> to vector<16xf32>
    %swap3A_686 = vector.shape_cast %select_n3A_682 : vector<16xf32> to vector<16xf32>
    tpu.vector_store %arg7[%swap3A_683], %swap3A_686 {strides = array<i32>} : memref<512xf32, #tpu.memory_space<vmem>>, vector<16xf32>,
    "tpu.region"() ({
      %run_scoped3A = tpu.sem_alloc : memref<!tpu.dma_semaphore, #tpu.memory_space<semaphore_mem>>
      %dma_start3A_687 = tpu.memref_slice %arg3[%mul3A_2] : memref<16384xf32, #tpu.memory_space<hbm>> -> memref<512xf32, #tpu.memory_space<hbm>>
      %dma_start3A_688 = tpu.memref_slice %arg3[%mul3A_2] : memref<16384xf32, #tpu.memory_space<hbm>> -> memref<512xf32, #tpu.memory_space<hbm>>
      tpu.enqueue_dma source(%arg7 : memref<512xf32, #tpu.memory_space<vmem>>) target(%dma_start3A_688 : memref<512xf32, #tpu.memory_space<hbm>>) target_semaphore(%run_scoped3A : memref<!tpu.dma_semaphore, #tpu.memory_space<semaphore_mem>>)
      %dma_wait3A = tpu.memref_slice %arg3[%mul3A_2] : memref<16384xf32, #tpu.memory_space<hbm>> -> memref<512xf32, #tpu.memory_space<hbm>>
      %dma_wait3A_689 = tpu.memref_slice %arg3[%mul3A_2] : memref<16384xf32, #tpu.memory_space<hbm>> -> memref<512xf32, #tpu.memory_space<hbm>>
      tpu.wait_dma2 semaphore(%run_scoped3A : memref<!tpu.dma_semaphore, #tpu.memory_space<semaphore_mem>>) src(%arg7 : memref<512xf32, #tpu.memory_space<vmem>>) dst(%dma_wait3A_689 : memref<512xf32, #tpu.memory_space<hbm>>)
      tpu.yield
    }) : () -> ()
    return
  }
}

</mosaic_0001>

<sc_bundles>
// kernel: kernel.3.cloned.1.call-start
scs
__scs_entry_jumppad:
0x0: {  	(pc) =	sbr.rel $0x88, $3  }
0x1: {  	(tag) =	ssettag $0x0;
	lr =	simm.s32 $0x1  }
0x2: {  	[smem:$0x3FA0] =	sst lr;
	_ =	strace $0xD0000000  }
0x3: {  	_ = 	snop  }
0x4: {  	_ = 	snop  }
0x5: {  	_ = 	snop  }
0x6: {  	_ = 	snop  }
0x7: {  	_ = 	snop  }
__scs_overlays_trampoline_lowered:
0x8: {  	[smem:$0x3FAF] =	sst s0  }
0x9: {  	[smem:$0x3FB0] =	sst s1  }
0xa: {  	[smem:$0x3FB1] =	sst s2  }
0xb: {  	[smem:$0x3FB2] =	sst s3  }
0xc: {  	[smem:$0x3FB3] =	sst s4  }
0xd: {  	[smem:$0x3FB4] =	sst s5  }
0xe: {  	[smem:$0x3FB5] =	sst s6  }
0xf: {  	[smem:$0x3FB6] =	sst s7  }
0x10: {  	[smem:$0x3FB7] =	sst s8  }
0x11: {  	[smem:$0x3FB8] =	sst s9;
	s0 =	simm.s32 @!p0 $0x0  }
0x12: {  	s1 =	sld [smem:$0x3F9E];
	s0 =	simm.s32 @p0 $0x1  }
0x13: {  	[smem:$0x3FB9] =	sst s0;
	s0 =	simm.s32 @!p1 $0x0  }
0x14: {  	s2 =	sld [smem:$0x3F9D];
	s0 =	simm.s32 @p1 $0x1  }
0x15: {  	[smem:$0x3FBA] =	sst s0;
	s0 =	simm.s32 @!p2 $0x0  }
0x16: {  	s3 =	sld [smem:$0x3FDB];
	s0 =	simm.s32 @p2 $0x1  }
0x17: {  	s4 =	simm.s32 $0x1BF5;
	[smem:$0x3FBC] =	sst s0  }
0x18: {  	s0 =	sld [smem:$0x3F9F];
	_ =	swait.ge [sflag:s4], $0x0  }
0x19: {  	s7 =	sld [smem:$0x3FA0]  }
0x1a: {  	s8 =	sadd.s32 $0xFFFFE003, lr  }
0x1b: {  	s9 =	sadd.s32 $0xFFFFFEF7, lr;
	s5 =	simm.s32 $0xFFFFFFFF;
	p2 =	slt.u32 s8, $0xFFFFF086  }
0x1c: {  	p1 =	slt.u32 s9, $0xF7A;
	s5 =	simm.s32 @!p2 $0x0  }
0x1d: {  	s5 =	simm.s32 @p1 $0x1;
	p0 =	seq.s32 s7, s2  }
0x1e: {  	s7 =	smul.u32 @!p0 $0xF7A, s2;
	p2 =	seq.s32 @!p0 s5, $0x0  }
0x1f: {  	s9 =	smul.u32 $0xF7A, s1;
	s8 =	simm.s32 @!p0 $0x1BF5;
	p2 =	por !p2, p0  }
0x20: {  	[sflag:s8] =	ssyncset.s32 @!p0 $0xFFFFF086;
	s6 =	sadd.s32 @!p0 s3, s7;
	s7 =	simm.s32 @!p0 $0x108  }
0x21: {  	s3 =	sadd.s32 s3, s9;
	s6 =	sadd.s32 @!p0 $0x88, s6;
	s7 =	simm.s32 @p2 $0x1082  }
0x22: {  	[simem:s7], [sflag:s8] =	dma.local @!p0 [hbm:s6], $0xF7A  }
0x23: {  	s9 =	sor.u32 $0xD0000000, s2;
	s6 =	simm.s32 $0x108;
	_ =	swait.ge @!p0 [sflag:s8], $0x0  }
0x24: {  	s3 =	sadd.s32 $0x88, s3;
	s6 =	simm.s32 @!p1 $0x1082;
	[sflag:s4] =	ssyncset.s32 $0xFFFFF086  }
0x25: {  	[simem:s6], [sflag:s4] =	dma.local [hbm:s3], $0xF7A  }
0x26: {  	[smem:$0x3FA0] =	sst s1;
	(tag) =	ssettag s2;
	_ =	strace s9  }
0x27: {  	s1 =	sld [smem:$0x3FB0]  }
0x28: {  	s2 =	sld [smem:$0x3FB1]  }
0x29: {  	s4 =	sld [smem:$0x3FB3]  }
0x2a: {  	p0 =	seq.s32 s5, $0x0;
	s5 =	sld [smem:$0x3FB4]  }
0x2b: {  	s6 =	sld [smem:$0x3FB5]  }
0x2c: {  	s7 =	sld [smem:$0x3FB6]  }
0x2d: {  	s3 =	simm.s32 $0x108;
	s8 =	sld [smem:$0x3FB7]  }
0x2e: {  	s3 =	simm.s32 @!p0 $0x1082;
	s9 =	sld [smem:$0x3FB8]  }
0x2f: {  	lr =	sadd.s32 s0, s3;
	s0 =	sld [smem:$0x3FAF]  }
0x30: {  	s3 =	sld [smem:$0x3FB2]  }
0x31: {  	[smem:$0x3FBB] =	sst s10  }
0x32: {  	s10 =	sld [smem:$0x3FB9];
	_ =	sdelay $0x3  }
0x33: {  	p0 =	seq.s32 s10, $0x1;
	s10 =	sld [smem:$0x3FBB];
	_ =	sdelay $0x3  }
0x34: {  	[smem:$0x3FBB] =	sst s10  }
0x35: {  	s10 =	sld [smem:$0x3FBA];
	_ =	sdelay $0x3  }
0x36: {  	p1 =	seq.s32 s10, $0x1;
	s10 =	sld [smem:$0x3FBB];
	_ =	sdelay $0x3  }
0x37: {  	[smem:$0x3FBB] =	sst s10  }
0x38: {  	s10 =	sld [smem:$0x3FBC]  }
0x39: {  	_ = 	snop;
	(pc) =	sbr.ind lr, $3  }
0x3a: {  	_ = 	snop  }
0x3b: {  	_ = 	snop  }
0x3c: {  	p2 =	seq.s32 s10, $0x1;
	s10 =	sld [smem:$0x3FBB]  }
0x3d: {  	_ =	shalt  }
0x3e: {  	_ =	shalt  }
0x3f: {  	_ =	shalt  }
0x40: {  	_ =	shalt  }
0x41: {  	_ =	shalt  }
0x42: {  	_ =	shalt  }
0x43: {  	_ =	shalt  }
0x44: {  	_ =	shalt  }
0x45: {  	_ =	shalt  }
0x46: {  	_ =	shalt  }
0x47: {  	_ =	shalt  }
0x48: {  	_ =	shalt  }
0x49: {  	_ =	shalt  }
0x4a: {  	_ =	shalt  }
0x4b: {  	_ =	shalt  }
0x4c: {  	_ =	shalt  }
0x4d: {  	_ =	shalt  }
0x4e: {  	_ =	shalt  }
0x4f: {  	_ =	shalt  }
0x50: {  	_ =	shalt  }
0x51: {  	_ =	shalt  }
0x52: {  	_ =	shalt  }
0x53: {  	_ =	shalt  }
0x54: {  	_ =	shalt  }
0x55: {  	_ =	shalt  }
0x56: {  	_ =	shalt  }
0x57: {  	_ =	shalt  }
0x58: {  	_ =	shalt  }
0x59: {  	_ =	shalt  }
0x5a: {  	_ =	shalt  }
0x5b: {  	_ =	shalt  }
0x5c: {  	_ =	shalt  }
0x5d: {  	_ =	shalt  }
0x5e: {  	_ =	shalt  }
0x5f: {  	_ =	shalt  }
0x60: {  	_ =	shalt  }
0x61: {  	_ =	shalt  }
0x62: {  	_ =	shalt  }
0x63: {  	_ =	shalt  }
0x64: {  	_ =	shalt  }
0x65: {  	_ =	shalt  }
0x66: {  	_ =	shalt  }
0x67: {  	_ =	shalt  }
0x68: {  	_ =	shalt  }
0x69: {  	_ =	shalt  }
0x6a: {  	_ =	shalt  }
0x6b: {  	_ =	shalt  }
0x6c: {  	_ =	shalt  }
0x6d: {  	_ =	shalt  }
0x6e: {  	_ =	shalt  }
0x6f: {  	_ =	shalt  }
0x70: {  	_ =	shalt  }
0x71: {  	_ =	shalt  }
0x72: {  	_ =	shalt  }
0x73: {  	_ =	shalt  }
0x74: {  	_ =	shalt  }
0x75: {  	_ =	shalt  }
0x76: {  	_ =	shalt  }
0x77: {  	_ =	shalt  }
0x78: {  	_ =	shalt  }
0x79: {  	_ =	shalt  }
0x7a: {  	_ =	shalt  }
0x7b: {  	_ =	shalt  }
0x7c: {  	_ =	shalt  }
0x7d: {  	_ =	shalt  }
0x7e: {  	_ =	shalt  }
0x7f: {  	_ =	shalt  }
0x80: {  	_ =	shalt  }
0x81: {  	_ =	shalt  }
0x82: {  	_ =	shalt  }
0x83: {  	_ =	shalt  }
0x84: {  	_ =	shalt  }
0x85: {  	_ =	shalt  }
0x86: {  	_ =	shalt  }
0x87: {  	_ =	shalt  }
.Lfunc_end0:
.L_simem_size_0:
called_computation.1_lowered:
.L_overlay_start_0:
0x88: {  	s2 =	sld [smem:$0x3FD9]  }
0x89: {  	s3 =	sld [smem:$0x3FFE];
	_ =	sdelay $0x1  }
0x8a: {  	s1 =	srdreg.scid  }
0x8b: {  	s0 =	sand.u32 $0x1, s1  }
0x8c: {  	s16 =	sshll.u32 s0, $0xA;
	s2 =	sadd.s32 s3, s2  }
0x8d: {  	s2 =	sadd.s32 s2, s16  }
0x8e: {  	[smem:$0x3FC7] =	sst s2  }
0x8f: {  	_ = 	snop  }
0x90: {  	(tm) =	ssettm $0x1  }
0x91: {  	s17 =	sld [smem:$0x3FFB];
	_ =	sdelay $0x3  }
0x92: {  	_ =	strace s17  }
0x93: {  	s2 =	sld [smem:$0x3FFC];
	_ =	sdelay $0x3  }
0x94: {  	_ =	strace s2  }
0x95: {  	s2 =	sld [smem:$0x3FFD];
	_ =	sdelay $0x3  }
0x96: {  	_ =	strace s2  }
0x97: {  	_ =	strace $0x8FFFFFFF  }
0x98: {  	s18 =	sld [smem:$0x3FDB];
	_ =	sdelay $0x1  }
0x99: {  	s19 =	simm.s32 $_scs_section_size  }
0x9a: {  	s4 =	simm.s32 $_size__tile_overlayer_lowered;
	s5 =	simm.s32 $_tile_overlayer_lowered  }
0x9b: {  	s22 =	simm.s32 $0x1BFF;
	s21 =	sshll.u32 s5, $0x1;
	s2 =	sadd.s32 s19, s18  }
0x9c: {  	s6 =	simm.s32 $0x0;
	s20 =	sshll.u32 s4, $0x1;
	s4 =	sadd.s32 s21, s2  }
0x9d: {  	[timem:s6], [sflag:s22] =	dma.local [hbm:s4], s20  }
0x9e: {  	_ =	swait.ge [sflag:s22], s20  }
0x9f: {  	s3 =	ssub.s32 $0x0, s20;
	[sflag:s22] =	ssyncset.done $0x0  }
0xa0: {  	[sflag:s22] =	ssyncadd.s32 s3;
	_ =	sdelay $0x1  }
0xa1: {  	s23 =	simm.s32 $0x1B8B  }
0xa2: {  	_ =	swait.ge [sflag:s23], $0x1  }
0xa3: {  	[sflag:s23] =	ssyncset.done $0x0  }
0xa4: {  	s25 =	simm.s32 $0x1B8E;
	s24 =	sld [smem:$0x3FFE];
	[sflag:s23] =	ssyncadd.s32 $0xFFFFFFFF  }
0xa5: {  	s26 =	simm.s32 $execute0_lowered;
	[smem:$0x3FD2] =	sst s25  }
0xa6: {  	s4 =	sshll.u32 s26, $0x1;
	_ =	strace $0x80000049;
	[dreg:$0x1] =	wrdreg $0xFFFFFFFF  }
0xa7: {  	s28 =	simm.s32 $_size_execute0_lowered;
	s2 =	sadd.s32 s2, s4;
	[dreg:$0x0] =	wrdreg $0x0  }
0xa8: {  	s4 =	sshll.u32 s28, $0x1;
	[dreg:$0x2] =	wrdreg s2  }
0xa9: {  	[dreg:$0x3] =	wrdreg s4  }
0xaa: {  	[dreg:$0x4] =	wrdreg $0xC0  }
0xab: {  	_ =	task [dreg:s6], $0x5FFFF  }
0xac: {  	[dreg:$0x1] =	wrdreg $0xFFFFFFFF  }
0xad: {  	[dreg:$0x0] =	wrdreg $0x60  }
0xae: {  	[dreg:$0x2] =	wrdreg s24  }
0xaf: {  	[dreg:$0x3] =	wrdreg $0x9  }
0xb0: {  	_ =	task.clear_ibuf [dreg:s6], $0x4FFFF;
	_ =	strace $0x90000049  }
0xb1: {  	s29 =	simm.s32 $0x9;
	_ =	strace $0x8000004B  }
0xb2: {  	_ =	swait.ge [sflag:s29], $0x1  }
0xb3: {  	[sflag:s29] =	ssyncadd.s32 $0xFFFFFFFF  }
0xb4: {  	_ =	strace $0x9000004B  }
0xb5: {  	_ =	sfence  }
0xb6: {  	s30 =	sld [smem:$0x0];
	_ =	sdelay $0x2  }
0xb7: {  	s31 =	sshll.u32 s1, $0xD;
	s1 =	sshrl.u32 s1, $0x2  }
0xb8: {  	s3 =	sand.u32 $0x4000, s31;
	s1 =	sadd.s32 s1, s30  }
0xb9: {  	s0 =	sor.u32 s3, s0;
	s1 =	sshll.u32 s1, $0x11  }
0xba: {  	s0 =	sor.u32 s1, s0  }
0xbb: {  	s0 =	sadd.s32 $0x8F2B, s0  }
0xbc: {  	[sflag:s0] =	ssyncadd.remote.s32 $0x1  }
0xbd: {  	_ =	sfence.sel $0xFFFF  }
0xbe: {  	[dreg:$0x0] =	wrdreg $0xFFFFFFFF;
	(pc) =	sbr.abs _section_cstart, $3  }
0xbf: {  	[dreg:$0x1] =	wrdreg $0xFFFFFFFF  }
0xc0: {  	_ =	task.clear_ibuf [dreg:s6], $0x2FFFF;
	_ =	strace $0x9FFFFFFF  }
0xc1: {  	(tm) =	ssettm $0x7FFFFFFF  }
tec
execute0_lowered:
.L_overlay_start_1:
0x0: {  	(tag) =	ssettag $0x1  }
0x1: {  	s0 =	rddreg [dreg:$0x0]  }
0x2: {  	s2 =	srdreg.scid;
	s1 =	stileid.u32;
	s9 =	simm.s32 $0x1000  }
0x3: {  	s10 =	simm.s32 $0x20000;
	s11 =	simm.s32 $0x8000;
	s12 =	simm.s32 $0x1  }
0x4: {  	s13 =	simm.s32 $0x2;
	s15 =	simm.s32 $0x3;
	s16 =	simm.s32 $0x0  }
0x5: {  	s3 =	sand.u32 $0x1, s2;
	s2 =	simm.s32 $0x0;
	s4 =	sshll.u32 s1, $0xA  }
0x6: {  	s5 =	sshll.u32 s3, $0x9;
	[smem:$0x7FF] =	sst s2;
	s3 =	ssub.s32 $0x2, s3  }
.Ltmp0:
0x7: {  	s4 =	sor.u32 s5, s4;
	_ =	strace $0x8000004A;
	(pc) =	sbr.rel .LBB2_1-.Ltmp0, $4  }
0x8: {  	s30 =	sshrl.u32 s3, $0x1;
	s5 =	sshrl.u32 s4, $0x3;
	s6 =	sadd.s32 s4, s0  }
0x9: {  	s8 =	ssub.s32 s3, s30;
	s0 =	sadd.s32 s5, s0;
	s31 =	sadd.s32 $0x800, s6  }
0xa: {  	s4 =	sadd.s32 $0x20800, s6;
	s5 =	sadd.s32 $0x40800, s6;
	s6 =	sadd.s32 $0x60800, s6  }
0xb: {  	v0 =	vimm.f32 $0.0e+00;
	s8 =	smax.u32 s8, $0x1;
	[dreg:$0x2] =	wrdreg s31;
	s7 =	sadd.s32 $0x400800, s0  }
.LBB2_12:
0xc: {  	v1 =	vld [tilespmem:$0x10000]  }
0xd: {  	v2 =	vld [tilespmem:$0x10010]  }
0xe: {  	v3 =	vld [tilespmem:$0x10020]  }
0xf: {  	v4 =	vld [tilespmem:$0x10030]  }
0x10: {  	v5 =	vld [tilespmem:$0x10040]  }
0x11: {  	v8 =	vld [tilespmem:$0x10050]  }
0x12: {  	v53 =	vld [tilespmem:$0x10060]  }
0x13: {  	v10 =	vld [tilespmem:$0x10070]  }
0x14: {  	v12 =	vld [tilespmem:$0x10080]  }
0x15: {  	v56 =	vld [tilespmem:$0x10090]  }
0x16: {  	v57 =	vld [tilespmem:$0x100A0]  }
0x17: {  	v15 =	vld [tilespmem:$0x100B0];
	v6 =	vadd.f32 $4.096000000e+03, v1;
	v7 =	vadd.f32 $4.096000000e+03, v2  }
0x18: {  	v60 =	vld [tilespmem:$0x100C0];
	vm0 =	vlt.f32 v1, $0.0e+00;
	vm1 =	vlt.f32 v2, $0.0e+00;
	v2 =	vadd.f32 $4.096000000e+03, v3  }
0x19: {  	v62 =	vld [tilespmem:$0x100D0];
	v9 =	vadd.f32 $4.096000000e+03, v4;
	v11 =	vadd.f32 $4.096000000e+03, v5;
	vm11 =	vlt.f32 v3, $0.0e+00  }
0x1a: {  	v17 =	vld [tilespmem:$0x100E0];
	vm12 =	vlt.f32 v4, $0.0e+00;
	v55 =	vadd.f32 $4.096000000e+03, v8;
	vm13 =	vlt.f32 v5, $0.0e+00  }
0x1b: {  	v18 =	vld [tilespmem:$0x100F0];
	v13 =	vadd.f32 $4.096000000e+03, v53;
	vm14 =	vlt.f32 v8, $0.0e+00;
	v58 =	vadd.f32 $4.096000000e+03, v10  }
0x1c: {  	v21 =	vld [tilespmem:$0x10100];
	v14 =	vadd.f32 $4.096000000e+03, v12;
	vm15 =	vlt.f32 v53, $0.0e+00;
	vm4 =	vlt.f32 v10, $0.0e+00  }
0x1d: {  	v24 =	vld [tilespmem:$0x10110];
	vm2 =	vlt.f32 v12, $0.0e+00;
	v63 =	vadd.f32 $4.096000000e+03, v56;
	v16 =	vadd.f32 $4.096000000e+03, v57  }
0x1e: {  	v27 =	vld [tilespmem:$0x10120];
	vm5 =	vlt.f32 v56, $0.0e+00;
	vm6 =	vlt.f32 v57, $0.0e+00;
	v19 =	vadd.f32 $4.096000000e+03, v15  }
0x1f: {  	v31 =	vld [tilespmem:$0x10140];
	v20 =	vadd.f32 $4.096000000e+03, v60;
	vm7 =	vlt.f32 v15, $0.0e+00;
	v23 =	vadd.f32 $4.096000000e+03, v62  }
0x20: {  	v32 =	vld [tilespmem:$0x10150];
	vm8 =	vlt.f32 v60, $0.0e+00;
	v25 =	vadd.f32 $4.096000000e+03, v17;
	v26 =	vadd.f32 $4.096000000e+03, v18  }
0x21: {  	v35 =	vld [tilespmem:$0x10160];
	vm9 =	vlt.f32 v62, $0.0e+00;
	vm10 =	vlt.f32 v17, $0.0e+00;
	v1 =	vmul.f32 $1.000000050e-03, v6  }
0x22: {  	v36 =	vld [tilespmem:$0x10170];
	v30 =	vadd.f32 $4.096000000e+03, v21;
	v33 =	vadd.f32 $4.096000000e+03, v24;
	v52 =	vmul.f32 $1.000000050e-03, v7  }
0x23: {  	v39 =	vld [tilespmem:$0x10180];
	v34 =	vadd.f32 $4.096000000e+03, v27;
	v2 =	vmul.f32 $1.000000050e-03, v2;
	v1 =	vnsel vm0, $0x7F800000, v1  }
0x24: {  	v41 =	vld [tilespmem:$0x10190];
	v38 =	vadd.f32 $4.096000000e+03, v31;
	v3 =	vmul.f32 $1.000000050e-03, v9;
	v6 =	vnsel vm1, $0x7F800000, v52;
	[tilespmem:$0x10200] =	vst v1  }
0x25: {  	v48 =	vld [tilespmem:$0x101B0];
	v43 =	vadd.f32 $4.096000000e+03, v32;
	v54 =	vmul.f32 $1.000000050e-03, v11;
	v2 =	vnsel vm11, $0x7F800000, v2;
	[tilespmem:$0x10210] =	vst v6  }
0x26: {  	v44 =	vadd.f32 $4.096000000e+03, v35;
	v9 =	vmul.f32 $1.000000050e-03, v55;
	v3 =	vnsel vm12, $0x7F800000, v3;
	[tilespmem:$0x10220] =	vst v2  }
0x27: {  	v45 =	vadd.f32 $4.096000000e+03, v36;
	v59 =	vmul.f32 $1.000000050e-03, v13;
	v4 =	vnsel vm13, $0x7F800000, v54;
	[tilespmem:$0x10230] =	vst v3  }
0x28: {  	v50 =	vadd.f32 $4.096000000e+03, v39;
	v8 =	vmul.f32 $1.000000050e-03, v58;
	v9 =	vnsel vm14, $0x7F800000, v9;
	[tilespmem:$0x10240] =	vst v4  }
0x29: {  	v51 =	vadd.f32 $4.096000000e+03, v41;
	v61 =	vmul.f32 $1.000000050e-03, v14;
	v7 =	vnsel vm15, $0x7F800000, v59;
	[tilespmem:$0x10250] =	vst v9  }
0x2a: {  	v57 =	vadd.f32 $4.096000000e+03, v48;
	v22 =	vmul.f32 $1.000000050e-03, v20;
	v8 =	vnsel vm4, $0x7F800000, v8;
	[tilespmem:$0x10260] =	vst v7  }
0x2b: {  	v46 =	vld [tilespmem:$0x101A0];
	v16 =	vmul.f32 $1.000000050e-03, v16;
	v29 =	vmul.f32 $1.000000050e-03, v26;
	v10 =	vnsel vm2, $0x7F800000, v61;
	[tilespmem:$0x10270] =	vst v8  }
0x2c: {  	v37 =	vmul.f32 $1.000000050e-03, v34;
	v42 =	vmul.f32 $1.000000050e-03, v38;
	v5 =	vnsel vm8, $0x7F800000, v22;
	[tilespmem:$0x10280] =	vst v10  }
0x2d: {  	v28 =	vld [tilespmem:$0x10130];
	v47 =	vmul.f32 $1.000000050e-03, v43;
	vm11 =	vlt.f32 v18, $0.0e+00;
	v2 =	vnsel vm6, $0x7F800000, v16;
	[tilespmem:$0x102C0] =	vst v5  }
0x2e: {  	vm14 =	vlt.f32 v27, $0.0e+00;
	v1 =	vmul.f32 $1.000000050e-03, v63;
	v7 =	vnsel vm11, $0x7F800000, v29;
	[tilespmem:$0x102A0] =	vst v2  }
0x2f: {  	v49 =	vmul.f32 $1.000000050e-03, v45;
	v3 =	vmul.f32 $1.000000050e-03, v19;
	v40 =	vnsel vm14, $0x7F800000, v37;
	[tilespmem:$0x102F0] =	vst v7  }
0x30: {  	v55 =	vadd.f32 $4.096000000e+03, v46;
	v6 =	vmul.f32 $1.000000050e-03, v23;
	[tilespmem:$0x10320] =	vst v40;
	v1 =	vnsel vm5, $0x7F800000, v1  }
0x31: {  	vm12 =	vlt.f32 v21, $0.0e+00;
	v4 =	vmul.f32 $1.000000050e-03, v25;
	v3 =	vnsel vm7, $0x7F800000, v3;
	[tilespmem:$0x10290] =	vst v1  }
0x32: {  	vm13 =	vlt.f32 v24, $0.0e+00;
	v2 =	vadd.f32 $4.096000000e+03, v28;
	v6 =	vnsel vm9, $0x7F800000, v6;
	[tilespmem:$0x102B0] =	vst v3  }
0x33: {  	v4 =	vnsel vm10, $0x7F800000, v4;
	vm5 =	vlt.f32 v32, $0.0e+00;
	v1 =	vmul.f32 $1.000000050e-03, v30;
	[tilespmem:$0x102D0] =	vst v6  }
0x34: {  	vm15 =	vlt.f32 v28, $0.0e+00;
	v3 =	vmul.f32 $1.000000050e-03, v33;
	[tilespmem:$0x102E0] =	vst v4;
	v4 =	vnsel vm5, $0x7F800000, v47  }
0x35: {  	v53 =	vld [tilespmem:$0x101D0];
	vm4 =	vlt.f32 v31, $0.0e+00;
	v2 =	vmul.f32 $1.000000050e-03, v2;
	[tilespmem:$0x10350] =	vst v4;
	v1 =	vnsel vm12, $0x7F800000, v1  }
0x36: {  	v52 =	vld [tilespmem:$0x101C0];
	v54 =	vmul.f32 $1.000000050e-03, v51;
	vm8 =	vlt.f32 v39, $0.0e+00;
	v3 =	vnsel vm13, $0x7F800000, v3;
	[tilespmem:$0x10300] =	vst v1  }
0x37: {  	v56 =	vld [tilespmem:$0x101E0];
	v59 =	vmul.f32 $1.000000050e-03, v55;
	v2 =	vnsel vm15, $0x7F800000, v2;
	[tilespmem:$0x10310] =	vst v3;
	v3 =	vmul.f32 $1.000000050e-03, v44  }
0x38: {  	vm6 =	vlt.f32 v35, $0.0e+00;
	vm11 =	vlt.f32 v48, $0.0e+00;
	v1 =	vnsel vm4, $0x7F800000, v42;
	[tilespmem:$0x10330] =	vst v2  }
0x39: {  	v58 =	vld [tilespmem:$0x101F0];
	vm7 =	vlt.f32 v36, $0.0e+00;
	[tilespmem:$0x10340] =	vst v1;
	v1 =	vmul.f32 $1.000000050e-03, v50;
	v2 =	vnsel vm6, $0x7F800000, v3  }
0x3a: {  	v61 =	vadd.f32 $4.096000000e+03, v53;
	vm9 =	vlt.f32 v41, $0.0e+00;
	v3 =	vnsel vm7, $0x7F800000, v49;
	[tilespmem:$0x10360] =	vst v2  }
0x3b: {  	v60 =	vadd.f32 $4.096000000e+03, v52;
	v1 =	vnsel vm8, $0x7F800000, v1;
	[tilespmem:$0x10370] =	vst v3;
	v3 =	vmul.f32 $1.000000050e-03, v57  }
0x3c: {  	v62 =	vadd.f32 $4.096000000e+03, v56;
	vm10 =	vlt.f32 v46, $0.0e+00;
	v2 =	vnsel vm9, $0x7F800000, v54;
	[tilespmem:$0x10380] =	vst v1  }
0x3d: {  	v1 =	vnsel vm10, $0x7F800000, v59;
	[tilespmem:$0x10390] =	vst v2;
	v2 =	vnsel vm11, $0x7F800000, v3;
	v3 =	vmul.f32 $1.000000050e-03, v60  }
0x3e: {  	v63 =	vadd.f32 $4.096000000e+03, v58;
	vm12 =	vlt.f32 v52, $0.0e+00;
	[tilespmem:$0x103A0] =	vst v1;
	v1 =	vmul.f32 $1.000000050e-03, v61  }
0x3f: {  	vm13 =	vlt.f32 v53, $0.0e+00;
	[tilespmem:$0x103B0] =	vst v2;
	v2 =	vnsel vm12, $0x7F800000, v3;
	v3 =	vmul.f32 $1.000000050e-03, v62  }
0x40: {  	vm14 =	vlt.f32 v56, $0.0e+00;
	v1 =	vnsel vm13, $0x7F800000, v1;
	[tilespmem:$0x103C0] =	vst v2;
	v2 =	vmul.f32 $1.000000050e-03, v63  }
0x41: {  	s16 =	sadd.s32 $0x1, s16;
	vm15 =	vlt.f32 v58, $0.0e+00;
	[tilespmem:$0x103D0] =	vst v1;
	v1 =	vnsel vm14, $0x7F800000, v3  }
0x42: {  	p0 =	sne.s32 s16, s8;
	[tilespmem:$0x103E0] =	vst v1;
	v1 =	vnsel vm15, $0x7F800000, v2  }
.Ltmp1:
0x43: {  	s2 =	simm.s32 $0x0;
	s0 =	simm.s32 $0x10200;
	[tilespmem:$0x103F0] =	vst v1;
	(pc) =	sbr.rel @!p0 .LBB2_13-.Ltmp1, $4  }
0x44: {  	[hbm4b:s7+s2] =	stream.linear.scatter [tilespmem:s0], [sflag:$0x3], $0x200, $0x38;
	[tilespmem:$0x10400] =	vst v63  }
0x45: {  	_ =	swait.ge [sflag:s15], $0x200  }
0x46: {  	[sflag:s15] =	ssyncset.done $0x0  }
0x47: {  	[sflag:s15] =	ssyncadd.s32 $0xFFFFFE00  }
.LBB2_1:
0x48: {  	[tilespmem:$0x10000] =	vst v0  }
0x49: {  	[tilespmem:$0x10010] =	vst v0  }
0x4a: {  	[tilespmem:$0x10020] =	vst v0  }
0x4b: {  	[tilespmem:$0x10030] =	vst v0  }
0x4c: {  	[tilespmem:$0x10040] =	vst v0  }
0x4d: {  	[tilespmem:$0x10050] =	vst v0  }
0x4e: {  	[tilespmem:$0x10060] =	vst v0  }
0x4f: {  	[tilespmem:$0x10070] =	vst v0  }
0x50: {  	[tilespmem:$0x10080] =	vst v0  }
0x51: {  	[tilespmem:$0x10090] =	vst v0  }
0x52: {  	[tilespmem:$0x100A0] =	vst v0  }
0x53: {  	[tilespmem:$0x100B0] =	vst v0  }
0x54: {  	[tilespmem:$0x100C0] =	vst v0  }
0x55: {  	[tilespmem:$0x100D0] =	vst v0  }
0x56: {  	[tilespmem:$0x100E0] =	vst v0  }
0x57: {  	[tilespmem:$0x100F0] =	vst v0  }
0x58: {  	[tilespmem:$0x10100] =	vst v0  }
0x59: {  	[tilespmem:$0x10110] =	vst v0  }
0x5a: {  	[tilespmem:$0x10120] =	vst v0  }
0x5b: {  	[tilespmem:$0x10130] =	vst v0  }
0x5c: {  	[tilespmem:$0x10140] =	vst v0  }
0x5d: {  	[tilespmem:$0x10150] =	vst v0  }
0x5e: {  	[tilespmem:$0x10160] =	vst v0  }
0x5f: {  	[tilespmem:$0x10170] =	vst v0  }
0x60: {  	[tilespmem:$0x10180] =	vst v0  }
0x61: {  	[tilespmem:$0x10190] =	vst v0  }
0x62: {  	[tilespmem:$0x101A0] =	vst v0  }
0x63: {  	[tilespmem:$0x101B0] =	vst v0  }
0x64: {  	[tilespmem:$0x101C0] =	vst v0  }
0x65: {  	[tilespmem:$0x101D0] =	vst v0  }
0x66: {  	[tilespmem:$0x101E0] =	vst v0  }
0x67: {  	[tilespmem:$0x101F0] =	vst v0;
	s0 =	rddreg [dreg:$0x2]  }
0x68: {  	[tilespmem:s2], [sflag:$0x1] =	stream.strided.gather [hbm4b:s0+s9], $0x8000, s10, s9, $0x38;
	[tilespmem:$0x10400] =	vst v63  }
0x69: {  	s17 =	simm.s32 $0x0  }
0x6a: {  	[tilespmem:s11], [sflag:$0x2] =	stream.strided.gather [hbm4b:s4+s9], $0x8000, s10, s9, $0x38;
	[tilespmem:$0x10400] =	vst v63  }
.LBB2_2:
0x6b: {  	s18 =	sshll.u32 s17, $0x7  }
0x6c: {  	_ =	swait.ge [sflag:s12], $0x8000;
	s20 =	simm.s32 $0x0;
	s21 =	simm.s32 $0x0  }
0x6d: {  	s22 =	simm.s32 $0x0;
	[sflag:s12] =	ssyncset.done $0x0;
	s0 =	sadd.s32 $0xFFFFF000, s18  }
0x6e: {  	s23 =	simm.s32 $0x0;
	[sflag:s12] =	ssyncadd.s32 $0xFFFF8000;
	s19 =	scvt.s32.f32 s0  }
.LBB2_3:
0x6f: {  	s0 =	sshll.u32 s22, $0x2;
	s24 =	sand.u32 $0x7, s21  }
0x70: {  	s0 =	sand.u32 $0xFFFFF000, s0;
	s24 =	sshll.u32 s24, $0x6  }
0x71: {  	s0 =	sor.u32 s24, s0  }
0x72: {  	s24 =	sshll.u32 s23, $0x4;
	s0 =	sshrl.u32 s0, $0x2  }
0x73: {  	v2 =	vld [tilespmem:s24+$0x10000];
	s0 =	sor.u32 $0x200, s0  }
0x74: {  	v1 =	vld [tilespmem:s0+$0xFFFFFE00]  }
0x75: {  	s26 =	scvt.s32.f32 s20;
	s28 =	simm.s32 $0x1;
	v3 =	vld [tilespmem:s0+$0xFFFFFE80]  }
0x76: {  	s25 =	simm.s32 $0x8;
	s29 =	simm.s32 $0x2;
	s28 =	scvt.s32.f32 s28;
	v5 =	vld [tilespmem:s0+$0xFFFFFF00]  }
0x77: {  	s30 =	simm.s32 $0x3;
	s29 =	scvt.s32.f32 s29;
	s26 =	sadd.f32 s26, s19;
	v6 =	vld [tilespmem:s0+$0xFFFFFF80]  }
0x78: {  	s31 =	simm.s32 $0x4;
	s30 =	scvt.s32.f32 s30;
	s28 =	sadd.f32 s28, s19;
	v8 =	vld [tilespmem:s0+$0x0]  }
0x79: {  	s2 =	sadd.f32 s29, s19;
	s29 =	scvt.s32.f32 s31;
	s31 =	simm.s32 $0x5;
	v7 =	vmul.f32 s26, v1  }
0x7a: {  	v4 =	vld [tilespmem:s0+$0x80];
	v3 =	vmul.f32 s28, v3;
	s28 =	sadd.f32 s30, s19;
	s30 =	scvt.s32.f32 s31;
	s31 =	simm.s32 $0x6  }
0x7b: {  	s3 =	simm.s32 $0x7;
	s1 =	sadd.f32 s29, s19;
	v1 =	vld [tilespmem:s0+$0x100];
	v5 =	vmul.f32 s2, v5;
	s14 =	scvt.s32.f32 s31;
	v7 =	vmin.f32 v2, v7  }
0x7c: {  	s29 =	scvt.s32.f32 s25;
	s26 =	sadd.s32 $0x1000, s0;
	v2 =	vld [tilespmem:s0+$0x180];
	s30 =	sadd.f32 s30, s19;
	v7 =	vmin.f32 v7, v3  }
0x7d: {  	s31 =	scvt.s32.f32 s3;
	v6 =	vmul.f32 s28, v6;
	s28 =	simm.s32 $0x10;
	v3 =	vld [tilespmem:s26+$0xFFFFFE00];
	s0 =	sadd.f32 s14, s19;
	v7 =	vmin.f32 v7, v5;
	v5 =	vmul.f32 s1, v8  }
.LBB2_4:
0x7e: {  	p0 =	slt.u32 s28, $0x38  }
0x7f: {  	s1 =	sadd.s32 $0x1, s25;
	v4 =	vmul.f32 s30, v4;
	s14 =	sadd.f32 s31, s19;
	s30 =	smov.u32 s25  }
0x80: {  	v8 =	vld [tilespmem:s26+$0xFFFFFE80];
	v6 =	vmin.f32 v7, v6;
	s25 =	smov.u32 s28;
	s1 =	scvt.s32.f32 s1;
	s31 =	sadd.s32 $0x2, s30  }
0x81: {  	v7 =	vld [tilespmem:s26+$0xFFFFFF00];
	v5 =	vmin.f32 v6, v5;
	v1 =	vmul.f32 s0, v1;
	s0 =	sadd.f32 s29, s19;
	s29 =	scvt.s32.f32 s31  }
0x82: {  	s31 =	sadd.s32 $0x3, s30;
	v6 =	vld [tilespmem:s26+$0xFFFFFF80];
	v4 =	vmin.f32 v5, v4;
	v2 =	vmul.f32 s14, v2;
	s1 =	sadd.f32 s1, s19  }
0x83: {  	s14 =	scvt.s32.f32 s31;
	s31 =	sadd.s32 $0x4, s30;
	v5 =	vld [tilespmem:s26+$0x0];
	v1 =	vmin.f32 v4, v1;
	v3 =	vmul.f32 s0, v3;
	s0 =	sadd.f32 s29, s19  }
.Ltmp2:
0x84: {  	s29 =	scvt.s32.f32 s31;
	s31 =	sadd.s32 $0x5, s30;
	v4 =	vld [tilespmem:s26+$0x80];
	v2 =	vmin.f32 v1, v2;
	(pc) =	sbr.rel @p0 .LBB2_4-.Ltmp2, $4  }
0x85: {  	v8 =	vmul.f32 s1, v8;
	s1 =	sadd.f32 s14, s19;
	s14 =	scvt.s32.f32 s31;
	s31 =	sadd.s32 $0x6, s30;
	v1 =	vld [tilespmem:s26+$0x100]  }
0x86: {  	v3 =	vmin.f32 v2, v3;
	v7 =	vmul.f32 s0, v7;
	s0 =	sadd.f32 s29, s19;
	s2 =	scvt.s32.f32 s31;
	s29 =	sadd.s32 $0x7, s30;
	v2 =	vld [tilespmem:s26+$0x180]  }
0x87: {  	s26 =	sadd.s32 $0x1000, s26;
	v8 =	vmin.f32 v3, v8;
	v6 =	vmul.f32 s1, v6;
	s30 =	sadd.f32 s14, s19;
	s31 =	scvt.s32.f32 s29  }
0x88: {  	s28 =	sadd.s32 $0x8, s28;
	s29 =	scvt.s32.f32 s25;
	v3 =	vld [tilespmem:s26+$0xFFFFFE00];
	v7 =	vmin.f32 v8, v7;
	v5 =	vmul.f32 s0, v5;
	s0 =	sadd.f32 s2, s19  }
0x89: {  	s1 =	sadd.s32 $0x1, s25;
	v8 =	vld [tilespmem:s26+$0xFFFFFE80]  }
0x8a: {  	v6 =	vmin.f32 v7, v6;
	v4 =	vmul.f32 s30, v4;
	s2 =	sadd.f32 s31, s19;
	s14 =	sadd.s32 $0x2, s25;
	v58 =	vld [tilespmem:s26+$0xFFFFFF00];
	s1 =	scvt.s32.f32 s1  }
0x8b: {  	s28 =	sadd.s32 $0x3, s25;
	v59 =	vld [tilespmem:s26+$0xFFFFFF80];
	v5 =	vmin.f32 v6, v5;
	v1 =	vmul.f32 s0, v1;
	s3 =	sadd.f32 s29, s19;
	s14 =	scvt.s32.f32 s14  }
0x8c: {  	v60 =	vld [tilespmem:s26+$0x0];
	s29 =	sadd.s32 $0x4, s25;
	v4 =	vmin.f32 v5, v4;
	v2 =	vmul.f32 s2, v2;
	s2 =	scvt.s32.f32 s28;
	s1 =	sadd.f32 s1, s19  }
0x8d: {  	v61 =	vld [tilespmem:s26+$0x80];
	s31 =	scvt.s32.f32 s29;
	v1 =	vmin.f32 v4, v1;
	s30 =	sadd.f32 s14, s19;
	v3 =	vmul.f32 s3, v3;
	s3 =	sadd.s32 $0x5, s25  }
0x8e: {  	v62 =	vld [tilespmem:s26+$0x100];
	s29 =	sadd.s32 $0x6, s25;
	v1 =	vmin.f32 v1, v2;
	v2 =	vmul.f32 s1, v8;
	s1 =	sadd.f32 s2, s19;
	s2 =	scvt.s32.f32 s3  }
0x8f: {  	v63 =	vld [tilespmem:s26+$0x180];
	s3 =	sadd.s32 $0x7, s25;
	v1 =	vmin.f32 v1, v3;
	v3 =	vmul.f32 s30, v58;
	s30 =	sadd.f32 s31, s19;
	s31 =	scvt.s32.f32 s29  }
0x90: {  	s29 =	scvt.s32.f32 s3;
	v1 =	vmin.f32 v1, v2;
	v2 =	vmul.f32 s1, v59;
	s28 =	sadd.f32 s2, s19  }
0x91: {  	s23 =	sadd.s32 $0x1, s23;
	v1 =	vmin.f32 v1, v3;
	v3 =	vmul.f32 s30, v60;
	s30 =	sadd.f32 s31, s19  }
0x92: {  	p0 =	sne.s32 s23, $0x20;
	s31 =	sadd.f32 s29, s19;
	v1 =	vmin.f32 v1, v2;
	v2 =	vmul.f32 s28, v61  }
.Ltmp3:
0x93: {  	v1 =	vmin.f32 v1, v3;
	v3 =	vmul.f32 s30, v62;
	(pc) =	sbr.rel @p0 .LBB2_3-.Ltmp3, $4  }
0x94: {  	v1 =	vmin.f32 v1, v2;
	v2 =	vmul.f32 s31, v63  }
0x95: {  	v1 =	vmin.f32 v1, v3  }
0x96: {  	v1 =	vmin.f32 v1, v2  }
0x97: {  	s22 =	sadd.s32 $0x80, s22;
	s21 =	sadd.s32 $0x1, s21;
	[tilespmem:s24+$0x10000] =	vst v1  }
0x98: {  	s19 =	sshll.u32 s17, $0x12;
	p0 =	seq.s32 s17, $0xF  }
0x99: {  	s0 =	sadd.s32 @!p0 s19, s5  }
0x9a: {  	s1 =	simm.s32 @!p0 $0x1000;
	s2 =	simm.s32 @!p0 $0x20000;
	s14 =	simm.s32 @!p0 $0x0  }
0x9b: {  	[tilespmem:s14], [sflag:$0x1] =	stream.strided.gather @!p0 [hbm4b:s0+s1], $0x8000, s2, s1, $0x38;
	[tilespmem:$0x10400] =	vst v63  }
0x9c: {  	s31 =	sadd.s32 $0xFFFFF040, s18;
	s20 =	simm.s32 $0x0;
	_ =	swait.ge [sflag:s13], $0x8000  }
0x9d: {  	s21 =	simm.s32 $0x0;
	s22 =	simm.s32 $0x0;
	[sflag:s13] =	ssyncset.done $0x0  }
0x9e: {  	s23 =	simm.s32 $0x0;
	s18 =	scvt.s32.f32 s31;
	[sflag:s13] =	ssyncadd.s32 $0xFFFF8000  }
.LBB2_7:
0x9f: {  	s0 =	sshll.u32 s22, $0x2;
	s1 =	sand.u32 $0x7, s21  }
0xa0: {  	s0 =	sand.u32 $0xFFFFF000, s0;
	s1 =	sshll.u32 s1, $0x6  }
0xa1: {  	s0 =	sor.u32 s1, s0  }
0xa2: {  	s24 =	sshll.u32 s23, $0x4;
	s0 =	sshrl.u32 s0, $0x2  }
0xa3: {  	v2 =	vld [tilespmem:s24+$0x10000];
	s0 =	sadd.s32 $0x8200, s0  }
0xa4: {  	v1 =	vld [tilespmem:s0+$0xFFFFFE00]  }
0xa5: {  	s3 =	scvt.s32.f32 s20;
	s2 =	simm.s32 $0x1;
	s14 =	simm.s32 $0x2;
	v3 =	vld [tilespmem:s0+$0xFFFFFE80]  }
0xa6: {  	s26 =	simm.s32 $0x3;
	s2 =	scvt.s32.f32 s2;
	s14 =	scvt.s32.f32 s14;
	v5 =	vld [tilespmem:s0+$0xFFFFFF00]  }
0xa7: {  	s25 =	simm.s32 $0x8;
	s26 =	scvt.s32.f32 s26;
	s1 =	sadd.f32 s3, s18;
	v6 =	vld [tilespmem:s0+$0xFFFFFF80]  }
0xa8: {  	s28 =	simm.s32 $0x4;
	s29 =	scvt.s32.f32 s25;
	s2 =	sadd.f32 s2, s18;
	v8 =	vld [tilespmem:s0+$0x0]  }
0xa9: {  	s3 =	scvt.s32.f32 s28;
	s28 =	simm.s32 $0x5;
	s14 =	sadd.f32 s14, s18;
	v7 =	vmul.f32 s1, v1  }
0xaa: {  	v4 =	vld [tilespmem:s0+$0x80];
	v3 =	vmul.f32 s2, v3;
	s2 =	sadd.f32 s26, s18;
	s26 =	scvt.s32.f32 s28;
	s28 =	simm.s32 $0x6  }
0xab: {  	v1 =	vld [tilespmem:s0+$0x100];
	v5 =	vmul.f32 s14, v5;
	s14 =	sadd.f32 s3, s18;
	s3 =	scvt.s32.f32 s28;
	v7 =	vmin.f32 v2, v7  }
0xac: {  	s28 =	simm.s32 $0x7;
	v2 =	vld [tilespmem:s0+$0x180];
	s30 =	sadd.f32 s26, s18;
	s26 =	sadd.s32 $0x1000, s0;
	v7 =	vmin.f32 v7, v3  }
0xad: {  	s31 =	scvt.s32.f32 s28;
	v6 =	vmul.f32 s2, v6;
	s28 =	simm.s32 $0x10;
	v3 =	vld [tilespmem:s26+$0xFFFFFE00];
	s0 =	sadd.f32 s3, s18;
	v7 =	vmin.f32 v7, v5;
	v5 =	vmul.f32 s14, v8  }
.LBB2_8:
0xae: {  	p1 =	slt.u32 s28, $0x38  }
0xaf: {  	s1 =	sadd.s32 $0x1, s25;
	s2 =	sadd.f32 s31, s18;
	s14 =	smov.u32 s25  }
0xb0: {  	v8 =	vld [tilespmem:s26+$0xFFFFFE80];
	v6 =	vmin.f32 v7, v6;
	v4 =	vmul.f32 s30, v4;
	s25 =	smov.u32 s28;
	s1 =	scvt.s32.f32 s1;
	s30 =	sadd.s32 $0x2, s14  }
0xb1: {  	v7 =	vld [tilespmem:s26+$0xFFFFFF00];
	v5 =	vmin.f32 v6, v5;
	v1 =	vmul.f32 s0, v1;
	s0 =	sadd.f32 s29, s18;
	s29 =	scvt.s32.f32 s30  }
0xb2: {  	s30 =	sadd.s32 $0x3, s14;
	v6 =	vld [tilespmem:s26+$0xFFFFFF80];
	v4 =	vmin.f32 v5, v4;
	v2 =	vmul.f32 s2, v2;
	s1 =	sadd.f32 s1, s18  }
0xb3: {  	s2 =	scvt.s32.f32 s30;
	s30 =	sadd.s32 $0x4, s14;
	v5 =	vld [tilespmem:s26+$0x0];
	v1 =	vmin.f32 v4, v1;
	v3 =	vmul.f32 s0, v3;
	s0 =	sadd.f32 s29, s18  }
.Ltmp4:
0xb4: {  	s29 =	scvt.s32.f32 s30;
	s30 =	sadd.s32 $0x5, s14;
	v4 =	vld [tilespmem:s26+$0x80];
	v2 =	vmin.f32 v1, v2;
	(pc) =	sbr.rel @p1 .LBB2_8-.Ltmp4, $4  }
0xb5: {  	v8 =	vmul.f32 s1, v8;
	s1 =	sadd.f32 s2, s18;
	s2 =	scvt.s32.f32 s30;
	s30 =	sadd.s32 $0x6, s14;
	v1 =	vld [tilespmem:s26+$0x100]  }
0xb6: {  	s14 =	sadd.s32 $0x7, s14;
	v3 =	vmin.f32 v2, v3;
	v7 =	vmul.f32 s0, v7;
	s0 =	sadd.f32 s29, s18;
	s3 =	scvt.s32.f32 s30;
	v2 =	vld [tilespmem:s26+$0x180]  }
0xb7: {  	s31 =	scvt.s32.f32 s14;
	s26 =	sadd.s32 $0x1000, s26;
	v8 =	vmin.f32 v3, v8;
	v6 =	vmul.f32 s1, v6;
	s30 =	sadd.f32 s2, s18  }
0xb8: {  	s28 =	sadd.s32 $0x8, s28;
	s29 =	scvt.s32.f32 s25;
	v3 =	vld [tilespmem:s26+$0xFFFFFE00];
	v7 =	vmin.f32 v8, v7;
	v5 =	vmul.f32 s0, v5;
	s0 =	sadd.f32 s3, s18  }
0xb9: {  	s1 =	sadd.s32 $0x1, s25;
	v8 =	vld [tilespmem:s26+$0xFFFFFE80]  }
0xba: {  	v6 =	vmin.f32 v7, v6;
	v4 =	vmul.f32 s30, v4;
	s2 =	sadd.f32 s31, s18;
	s3 =	sadd.s32 $0x2, s25;
	v58 =	vld [tilespmem:s26+$0xFFFFFF00];
	s1 =	scvt.s32.f32 s1  }
0xbb: {  	s14 =	sadd.s32 $0x3, s25;
	v59 =	vld [tilespmem:s26+$0xFFFFFF80];
	v5 =	vmin.f32 v6, v5;
	v1 =	vmul.f32 s0, v1;
	s28 =	sadd.f32 s29, s18;
	s3 =	scvt.s32.f32 s3  }
0xbc: {  	s31 =	sadd.s32 $0x4, s25;
	v60 =	vld [tilespmem:s26+$0x0];
	s29 =	scvt.s32.f32 s14;
	v4 =	vmin.f32 v5, v4;
	v2 =	vmul.f32 s2, v2;
	s1 =	sadd.f32 s1, s18  }
0xbd: {  	v61 =	vld [tilespmem:s26+$0x80];
	s30 =	scvt.s32.f32 s31;
	s31 =	sadd.s32 $0x5, s25;
	v1 =	vmin.f32 v4, v1;
	s3 =	sadd.f32 s3, s18;
	v3 =	vmul.f32 s28, v3  }
0xbe: {  	v62 =	vld [tilespmem:s26+$0x100];
	s2 =	sadd.f32 s29, s18;
	s29 =	sadd.s32 $0x6, s25;
	v1 =	vmin.f32 v1, v2;
	s28 =	scvt.s32.f32 s31;
	v2 =	vmul.f32 s1, v8  }
0xbf: {  	v63 =	vld [tilespmem:s26+$0x180];
	s30 =	sadd.f32 s30, s18;
	s25 =	sadd.s32 $0x7, s25;
	s31 =	scvt.s32.f32 s29;
	v1 =	vmin.f32 v1, v3;
	v3 =	vmul.f32 s3, v58  }
0xc0: {  	s29 =	scvt.s32.f32 s25;
	s28 =	sadd.f32 s28, s18;
	v1 =	vmin.f32 v1, v2;
	v2 =	vmul.f32 s2, v59  }
0xc1: {  	s23 =	sadd.s32 $0x1, s23;
	v1 =	vmin.f32 v1, v3;
	v3 =	vmul.f32 s30, v60;
	s30 =	sadd.f32 s31, s18  }
0xc2: {  	p1 =	sne.s32 s23, $0x20;
	s31 =	sadd.f32 s29, s18;
	v1 =	vmin.f32 v1, v2;
	v2 =	vmul.f32 s28, v61  }
.Ltmp5:
0xc3: {  	v1 =	vmin.f32 v1, v3;
	v3 =	vmul.f32 s30, v62;
	(pc) =	sbr.rel @p1 .LBB2_7-.Ltmp5, $4  }
0xc4: {  	v1 =	vmin.f32 v1, v2;
	v2 =	vmul.f32 s31, v63  }
0xc5: {  	v1 =	vmin.f32 v1, v3  }
0xc6: {  	v1 =	vmin.f32 v1, v2  }
0xc7: {  	s22 =	sadd.s32 $0x80, s22;
	s21 =	sadd.s32 $0x1, s21;
	[tilespmem:s24+$0x10000] =	vst v1  }
.Ltmp6:
0xc8: {  	(pc) =	sbr.rel @p0 .LBB2_12-.Ltmp6, $1  }
0xc9: {  	_ =	sdelay $0x3  }
.Ltmp7:
0xca: {  	(pc) =	sbr.rel .LBB2_2-.Ltmp7, $3  }
0xcb: {  	_ =	sdelay $0x1  }
0xcc: {  	s0 =	sadd.s32 s19, s6;
	s17 =	sadd.s32 $0x1, s17  }
0xcd: {  	[tilespmem:s11], [sflag:$0x2] =	stream.strided.gather [hbm4b:s0+s9], $0x8000, s10, s9, $0x38;
	[tilespmem:$0x10400] =	vst v63  }
.LBB2_13:
0xce: {  	_ =	sfence.sel $0x180000  }
0xcf: {  	[bflag:$0x0] =	sbarrier.arrive $0xFFFF  }
0xd0: {  	_ =	strace $0x9000004A  }
0xd1: {  	s0 =	stileid.u32;
	[bflag:$0x2] =	sbarrier.arrive $0xFFFF  }
0xd2: {  	p0 =	sne.s32 s0, $0x0;
	s0 =	rddreg [dreg:$0x1]  }
0xd3: {  	s0 =	sadd.s32 @!p0 $0x100000, s0  }
0xd4: {  	[sflag:s0] =	ssyncadd.tile.s32 @!p0 $0x1;
	_ =	shalt  }
.Lfunc_end2:
_tile_overlayer_lowered:
.L_overlay_start_2:
0xd5: {  	(tag) =	ssettag $0x2  }
0xd6: {  	s0 =	rddreg [dreg:$0x0];
	s2 =	stileid.u32  }
0xd7: {  	s1 =	rddreg [dreg:$0x1];
	p0 =	sne.s32 s2, $0x0  }
0xd8: {  	s3 =	rddreg [dreg:$0x2];
	[bflag:$0x3] =	sbarrier.arrive $0xFFFF;
	s2 =	simm.s32 @!p0 $0x1C03  }
0xd9: {  	[timem:s3], [sflag:s2] =	dma.local @!p0 [hbm:s0], s1  }
0xda: {  	s0 =	simm.s32 @!p0 $0x3  }
0xdb: {  	_ =	swait.ge @!p0 [sflag:s0], s1  }
0xdc: {  	s1 =	ssub.s32 @!p0 $0x0, s1;
	[sflag:s0] =	ssyncset.done @!p0 $0x0  }
0xdd: {  	[sflag:s0] =	ssyncadd.s32 @!p0 s1  }
0xde: {  	[bflag:$0x3] =	sbarrier.arrive $0xFFFF  }
0xdf: {  	_ =	shalt  }

// kernel: sparse-core-data-format-call.cloned.1.call-start
scs
called_computation_lowered:
.L_overlay_start_0:
0x0: {  	s2 =	sld [smem:$0x3FD9]  }
0x1: {  	s3 =	sld [smem:$0x3FFE];
	_ =	sdelay $0x1  }
0x2: {  	s1 =	srdreg.scid  }
0x3: {  	s0 =	sand.u32 $0x1, s1  }
0x4: {  	s18 =	sshll.u32 s0, $0xA;
	s2 =	sadd.s32 s3, s2  }
0x5: {  	s2 =	sadd.s32 s2, s18  }
0x6: {  	[smem:$0x3FC7] =	sst s2  }
0x7: {  	_ = 	snop  }
0x8: {  	s2 =	sld [smem:$0x3FC9];
	(tm) =	ssettm $0x1  }
0x9: {  	s19 =	sld [smem:$0x3FFB];
	_ =	sdelay $0x3  }
0xa: {  	_ =	strace s19  }
0xb: {  	s3 =	sld [smem:$0x3FFC];
	_ =	sdelay $0x3  }
0xc: {  	_ =	strace s3  }
0xd: {  	s3 =	sld [smem:$0x3FFD];
	_ =	sdelay $0x3  }
0xe: {  	_ =	strace s3  }
0xf: {  	_ =	strace $0x8FFFFFFF  }
0x10: {  	s20 =	sld [smem:$0x3FDB];
	_ =	sdelay $0x1  }
0x11: {  	s4 =	simm.s32 $_scs_section_size  }
0x12: {  	s5 =	simm.s32 $_size__tile_overlayer_lowered;
	s6 =	simm.s32 $_tile_overlayer_lowered  }
0x13: {  	s23 =	simm.s32 $0x1BFF;
	s22 =	sshll.u32 s6, $0x1;
	s3 =	sadd.s32 s4, s20  }
0x14: {  	s7 =	simm.s32 $0x0;
	s21 =	sshll.u32 s5, $0x1;
	s5 =	sadd.s32 s22, s3  }
0x15: {  	[timem:s7], [sflag:s23] =	dma.local [hbm:s5], s21  }
0x16: {  	_ =	swait.ge [sflag:s23], s21  }
0x17: {  	s4 =	ssub.s32 $0x0, s21;
	[sflag:s23] =	ssyncset.done $0x0  }
0x18: {  	[sflag:s23] =	ssyncadd.s32 s4;
	_ =	sdelay $0x1  }
0x19: {  	s24 =	simm.s32 $0x1B8B  }
0x1a: {  	_ =	swait.ge [sflag:s24], $0x1  }
0x1b: {  	[sflag:s24] =	ssyncset.done $0x0  }
0x1c: {  	s26 =	simm.s32 $0x1B8E;
	s25 =	sld [smem:$0x3FFE];
	[sflag:s24] =	ssyncadd.s32 $0xFFFFFFFF  }
0x1d: {  	s27 =	simm.s32 $execute0_lowered;
	[smem:$0x3FD2] =	sst s26  }
0x1e: {  	s5 =	sshll.u32 s27, $0x1;
	_ =	strace $0x80000046;
	[dreg:$0x1] =	wrdreg $0xFFFFFFFF  }
0x1f: {  	s28 =	simm.s32 $_size_execute0_lowered;
	s3 =	sadd.s32 s3, s5;
	[dreg:$0x0] =	wrdreg $0x0  }
0x20: {  	s5 =	sshll.u32 s28, $0x1;
	[dreg:$0x2] =	wrdreg s3  }
0x21: {  	[dreg:$0x3] =	wrdreg s5  }
0x22: {  	[dreg:$0x4] =	wrdreg $0xC0  }
0x23: {  	_ =	task [dreg:s7], $0x5FFFF  }
0x24: {  	[dreg:$0x1] =	wrdreg $0xFFFFFFFF  }
0x25: {  	[dreg:$0x0] =	wrdreg $0x60  }
0x26: {  	[dreg:$0x2] =	wrdreg s2  }
0x27: {  	[dreg:$0x3] =	wrdreg s25  }
0x28: {  	[dreg:$0x4] =	wrdreg $0x9  }
0x29: {  	_ =	task.clear_ibuf [dreg:s7], $0x5FFFF;
	_ =	strace $0x90000046  }
0x2a: {  	s29 =	simm.s32 $0x9;
	_ =	strace $0x80000048  }
0x2b: {  	_ =	swait.ge [sflag:s29], $0x1  }
0x2c: {  	[sflag:s29] =	ssyncadd.s32 $0xFFFFFFFF  }
0x2d: {  	_ =	strace $0x90000048  }
0x2e: {  	_ =	sfence  }
0x2f: {  	s30 =	sld [smem:$0x0];
	_ =	sdelay $0x2  }
0x30: {  	s31 =	sshll.u32 s1, $0xD;
	s1 =	sshrl.u32 s1, $0x2  }
0x31: {  	s3 =	sand.u32 $0x4000, s31;
	s1 =	sadd.s32 s1, s30  }
0x32: {  	s0 =	sor.u32 s3, s0;
	s1 =	sshll.u32 s1, $0x11  }
0x33: {  	s0 =	sor.u32 s1, s0  }
0x34: {  	s0 =	sadd.s32 $0x8F2B, s0  }
0x35: {  	[sflag:s0] =	ssyncadd.remote.s32 $0x1  }
0x36: {  	_ =	sfence.sel $0xFFFF  }
0x37: {  	[dreg:$0x0] =	wrdreg $0xFFFFFFFF;
	(pc) =	sbr.abs _section_cstart, $3  }
0x38: {  	[dreg:$0x1] =	wrdreg $0xFFFFFFFF  }
0x39: {  	_ =	task.clear_ibuf [dreg:s7], $0x2FFFF;
	_ =	strace $0x9FFFFFFF  }
0x3a: {  	(tm) =	ssettm $0x7FFFFFFF  }
0x3b: {  	_ =	shalt  }
tec
execute0_lowered:
.L_overlay_start_1:
0x0: {  	(tag) =	ssettag $0x1  }
0x1: {  	s2 =	rddreg [dreg:$0x0]  }
0x2: {  	s1 =	rddreg [dreg:$0x1]  }
0x3: {  	s0 =	rddreg [dreg:$0x2];
	_ =	strace $0x80000047;
	s4 =	srdreg.scid  }
0x4: {  	s6 =	simm.s32 $0x2;
	s12 =	simm.s32 $0x0;
	p0 =	por $0x0, $0x0  }
0x5: {  	s13 =	simm.s32 $0x0;
	s15 =	simm.s32 $0x0;
	s14 =	simm.s32 $0x0  }
.Ltmp0:
0x6: {  	s8 =	simm.s32 $0x0;
	s9 =	simm.s32 $0x0;
	(pc) =	sbr.rel .LBB1_1-.Ltmp0, $4  }
0x7: {  	s10 =	simm.s32 $0x0;
	s3 =	sadd.s32 $0x800, s1;
	s5 =	sshll.u32 s4, $0x4  }
0x8: {  	s1 =	stileid.u32;
	s4 =	simm.s32 $0x1;
	s5 =	sand.u32 $0x10, s5  }
0x9: {  	s7 =	simm.s32 $0x0;
	[sflag:s4] =	ssyncpa.u1 $0x0;
	s5 =	sor.u32 s1, s5  }
0xa: {  	[sflag:s6] =	ssyncpa.u1 $0x0;
	s6 =	simm.s32 $0x1000;
	s11 =	smov.u32 s5  }
.LBB1_7:
0xb: {  	s16 =	sadd.s32 $0x80, s8  }
0xc: {  	s12 =	sadd.s32 $0x20, s9;
	s17 =	smov.u32 s9;
	p2 =	sgt.s32 s16, $0x1FF  }
0xd: {  	s17 =	smov.u32 @p2 s12  }
0xe: {  	s18 =	smov.u32 s10;
	s12 =	sadd.s32 $0x4, s10;
	p3 =	sgt.s32 s17, $0x1F  }
0xf: {  	s18 =	smov.u32 @p3 s12  }
0x10: {  	s19 =	smov.u32 s11;
	s12 =	sadd.s32 $0x20, s11;
	p4 =	sgt.s32 s18, $0x7  }
0x11: {  	p1 =	slt.u32 s7, $0x2;
	s19 =	smov.u32 @p4 s12  }
0x12: {  	s7 =	sadd.s32 $0x1, s7;
	s16 =	simm.s32 @p2 $0x0;
	p2 =	sgt.s32 s19, $0xFF  }
0x13: {  	s20 =	simm.s32 @!p1 $0x2;
	s19 =	smov.u32 @p2 s5;
	p2 =	sne.s32 s7, $0x42  }
.Ltmp1:
0x14: {  	s13 =	smov.u32 s9;
	_ =	swait.ge @!p1 [sflag:s20], $0x4000;
	(pc) =	sbr.rel @!p2 .LBB1_8-.Ltmp1, $4  }
0x15: {  	s15 =	smov.u32 s10;
	s14 =	smov.u32 s11;
	[sflag:s20] =	ssyncset.done @!p1 $0x0  }
0x16: {  	p0 =	por !p0, !p0;
	s17 =	simm.s32 @p3 $0x0;
	[sflag:s20] =	ssyncadd.s32 @!p1 $0xFFFFC000  }
0x17: {  	s9 =	smov.u32 s17;
	s18 =	simm.s32 @p4 $0x0;
	s12 =	smov.u32 s8  }
0x18: {  	s8 =	smov.u32 s16;
	s10 =	smov.u32 s18;
	s11 =	smov.u32 s19  }
.LBB1_1:
0x19: {  	p1 =	sgt.u32 s7, $0x3F  }
0x1a: {  	s16 =	sxor.u32 @!p1 $0xFFFFFFFF, s7;
	s17 =	sand.u32 @!p1 $0x78, s8;
	s18 =	sshll.u32 @!p1 s9, $0x9  }
0x1b: {  	s19 =	sshll.u32 @!p1 s8, $0x3;
	s20 =	sshll.u32 @!p1 s9, $0x7;
	s16 =	sshll.u32 @!p1 s16, $0xE  }
0x1c: {  	s18 =	sand.u32 @!p1 $0x3000, s18;
	s19 =	sand.u32 @!p1 $0x3C00, s19;
	s16 =	sand.u32 @!p1 $0x4000, s16  }
0x1d: {  	s18 =	sadd.s32 @!p1 s18, s19;
	s19 =	sand.u32 @!p1 $0x200, s20;
	s20 =	sand.u32 @!p1 $0x180, s20  }
0x1e: {  	s18 =	sor.u32 @!p1 s19, s18;
	s17 =	sor.u32 @!p1 s17, s20;
	s19 =	sshll.u32 @!p1 s11, $0xE  }
0x1f: {  	s20 =	sshll.u32 @!p1 s10, $0xB;
	s18 =	sshrl.u32 @!p1 s18, $0x3;
	s19 =	sadd.s32 @!p1 s2, s19  }
0x20: {  	s17 =	sshrl.u32 @!p1 s17, $0x3;
	s19 =	sadd.s32 @!p1 s20, s19;
	s20 =	sand.u32 @!p1 $0x7, s8  }
0x21: {  	s18 =	sand.u32 @!p1 $0x7C0, s18;
	s17 =	sadd.s32 @!p1 s17, s19;
	s19 =	sshll.u32 @!p1 s20, $0x12  }
0x22: {  	s17 =	sadd.s32 @!p1 s18, s17;
	s18 =	sor.u32 @!p1 $0x400, s19;
	s19 =	simm.s32 @!p1 $0x1000  }
0x23: {  	[tilespmem:s16], [sflag:$0x1] =	stream.strided.gather @!p1 [hbm4b:s17+s18], $0x4000, s19, s18, $0x38;
	[tilespmem:$0x10000] =	vst v63  }
0x24: {  	p1 =	seq.s32 s7, $0x0  }
0x25: {  	p2 =	seq.s32 @!p1 s7, $0x41  }
0x26: {  	p1 =	por p1, p2  }
.Ltmp2:
0x27: {  	_ = 	snop;
	(pc) =	sbr.rel @p1 .LBB1_7-.Ltmp2, $1  }
0x28: {  	_ =	sdelay $0x3  }
0x29: {  	s16 =	simm.s32 $0x1;
	_ =	swait.ge [sflag:s4], $0x4000;
	s19 =	sshll.u32 s7, $0xE  }
0x2a: {  	s16 =	simm.s32 @!p0 $0x0;
	[sflag:s4] =	ssyncset.done $0x0;
	s31 =	sand.u32 $0x4000, s19  }
0x2b: {  	s19 =	simm.s32 $0x0;
	s16 =	sshll.u32 s16, $0xE;
	[sflag:s4] =	ssyncadd.s32 $0xFFFFC000  }
0x2c: {  	s17 =	sor.u32 $0x8040, s16;
	s18 =	sor.u32 $0x40, s16;
	s16 =	sor.u32 $0x8000, s31  }
.LBB1_3:
0x2d: {  	v0 =	vmov s18;
	_ =	sdelay $0x3  }
0x2e: {  	s21 =	simm.s32 $0x0  }
0x2f: {  	v6 =	vld.idx.msk [tilespmem:v0+s21+$0x30 ss:$0x1], $0xffff  }
0x30: {  	v7 =	vld.idx.msk [tilespmem:v0+s21+$0xFFFFFFC0 ss:$0x1], $0xffff  }
0x31: {  	v5 =	vld.idx.msk [tilespmem:v0+s21+$0xFFFFFFD0 ss:$0x1], $0xffff  }
0x32: {  	v4 =	vld.idx.msk [tilespmem:v0+s21+$0xFFFFFFE0 ss:$0x1], $0xffff  }
0x33: {  	v3 =	vld.idx.msk [tilespmem:v0+s21+$0xFFFFFFF0 ss:$0x1], $0xffff  }
0x34: {  	v1 =	vld.idx.msk [tilespmem:v0+s21+$0x0 ss:$0x1], $0xffff  }
0x35: {  	v2 =	vld.idx.msk [tilespmem:v0+s21+$0x10 ss:$0x1], $0xffff;
	[tilespmem:s17+$0x30] =	vst v6  }
0x36: {  	s20 =	simm.s32 $0x80;
	s22 =	simm.s32 $0x400;
	[tilespmem:s17+$0xFFFFFFC0] =	vst v7;
	v6 =	vld.idx.msk [tilespmem:v0+s21+$0x20 ss:$0x1], $0xffff;
	s21 =	smov.u32 s17  }
.LBB1_4:
0x37: {  	p1 =	sne.s32 s22, $0x3E00;
	v7 =	vld.idx.msk [tilespmem:v0+s20+$0x30 ss:$0x1], $0xffff;
	[tilespmem:s21+$0xFFFFFFD0] =	vst v5  }
0x38: {  	v8 =	vld.idx.msk [tilespmem:v0+s20+$0xFFFFFFC0 ss:$0x1], $0xffff;
	[tilespmem:s21+$0xFFFFFFE0] =	vst v4  }
0x39: {  	v5 =	vld.idx.msk [tilespmem:v0+s20+$0xFFFFFFD0 ss:$0x1], $0xffff;
	[tilespmem:s21+$0xFFFFFFF0] =	vst v3  }
.Ltmp3:
0x3a: {  	v4 =	vld.idx.msk [tilespmem:v0+s20+$0xFFFFFFE0 ss:$0x1], $0xffff;
	[tilespmem:s21+$0x0] =	vst v1;
	(pc) =	sbr.rel @p1 .LBB1_4-.Ltmp3, $4  }
0x3b: {  	v3 =	vld.idx.msk [tilespmem:v0+s20+$0xFFFFFFF0 ss:$0x1], $0xffff;
	[tilespmem:s21+$0x10] =	vst v2  }
0x3c: {  	v1 =	vld.idx.msk [tilespmem:v0+s20+$0x0 ss:$0x1], $0xffff;
	[tilespmem:s21+$0x20] =	vst v6;
	s21 =	sadd.s32 $0x200, s21  }
0x3d: {  	v2 =	vld.idx.msk [tilespmem:v0+s20+$0x10 ss:$0x1], $0xffff;
	[tilespmem:s21+$0x30] =	vst v7  }
0x3e: {  	[tilespmem:s21+$0xFFFFFFC0] =	vst v8;
	v6 =	vld.idx.msk [tilespmem:v0+s20+$0x20 ss:$0x1], $0xffff;
	s20 =	sshra.s32 s22, $0x2;
	s22 =	sadd.s32 $0x200, s22  }
0x3f: {  	_ =	sdelay $0x2  }
0x40: {  	[tilespmem:s21+$0xFFFFFFD0] =	vst v5  }
0x41: {  	v56 =	vld.idx.msk [tilespmem:v0+s20+$0x30 ss:$0x1], $0xffff;
	[tilespmem:s21+$0xFFFFFFE0] =	vst v4  }
0x42: {  	v57 =	vld.idx.msk [tilespmem:v0+s20+$0xFFFFFFC0 ss:$0x1], $0xffff;
	[tilespmem:s21+$0xFFFFFFF0] =	vst v3  }
0x43: {  	v58 =	vld.idx.msk [tilespmem:v0+s20+$0xFFFFFFD0 ss:$0x1], $0xffff;
	[tilespmem:s21+$0x0] =	vst v1  }
0x44: {  	v59 =	vld.idx.msk [tilespmem:v0+s20+$0xFFFFFFE0 ss:$0x1], $0xffff;
	[tilespmem:s21+$0x10] =	vst v2  }
0x45: {  	v60 =	vld.idx.msk [tilespmem:v0+s20+$0xFFFFFFF0 ss:$0x1], $0xffff;
	s31 =	sadd.s32 $0x200, s21;
	[tilespmem:s21+$0x20] =	vst v6  }
0x46: {  	v61 =	vld.idx.msk [tilespmem:v0+s20+$0x0 ss:$0x1], $0xffff;
	[tilespmem:s31+$0x30] =	vst v56  }
0x47: {  	v62 =	vld.idx.msk [tilespmem:v0+s20+$0x10 ss:$0x1], $0xffff;
	s19 =	sadd.s32 $0x1, s19;
	[tilespmem:s31+$0xFFFFFFC0] =	vst v57  }
0x48: {  	v63 =	vld.idx.msk [tilespmem:v0+s20+$0x20 ss:$0x1], $0xffff;
	p1 =	sne.s32 s19, $0x4;
	[tilespmem:s31+$0xFFFFFFD0] =	vst v58  }
.Ltmp4:
0x49: {  	[tilespmem:s31+$0xFFFFFFE0] =	vst v59;
	(pc) =	sbr.rel @p1 .LBB1_3-.Ltmp4, $4  }
0x4a: {  	[tilespmem:s31+$0xFFFFFFF0] =	vst v60  }
0x4b: {  	[tilespmem:s31+$0x0] =	vst v61  }
0x4c: {  	[tilespmem:s31+$0x10] =	vst v62  }
0x4d: {  	s17 =	sadd.s32 $0x80, s17;
	s18 =	sadd.s32 $0x1000, s18;
	[tilespmem:s31+$0x20] =	vst v63  }
0x4e: {  	s17 =	sshll.u32 s12, $0x3;
	s15 =	sshll.u32 s15, $0x7;
	s18 =	sand.u32 $0x78, s12  }
0x4f: {  	s14 =	sshll.u32 s14, $0xE;
	s13 =	sshll.u32 s13, $0x9;
	s15 =	sand.u32 $0x380, s15  }
.Ltmp5:
0x50: {  	s17 =	sand.u32 $0xC00, s17;
	s15 =	sor.u32 s18, s15;
	(pc) =	sbr.rel .LBB1_7-.Ltmp5, $4  }
0x51: {  	s31 =	sand.u32 $0x7, s12;
	s14 =	sadd.s32 s3, s14;
	s15 =	sor.u32 s17, s15  }
0x52: {  	s12 =	sshll.u32 s31, $0x12;
	s13 =	sadd.s32 s13, s14;
	s15 =	sshrl.u32 s15, $0x3  }
0x53: {  	s12 =	sor.u32 $0x200, s12;
	s13 =	sadd.s32 s15, s13  }
0x54: {  	[hbm4b:s13+s12] =	stream.strided.scatter [tilespmem:s16], [sflag:$0x2], $0x4000, s6, s12, $0x38;
	[tilespmem:$0x10000] =	vst v63  }
.LBB1_8:
0x55: {  	_ =	sfence.sel $0x180000  }
0x56: {  	s2 =	simm.s32 $0x1;
	[bflag:$0x0] =	sbarrier.arrive $0xFFFF  }
0x57: {  	s31 =	simm.s32 $0x2;
	[sflag:s2] =	ssyncpa.u1 $0x1  }
0x58: {  	[sflag:s31] =	ssyncpa.u1 $0x1  }
0x59: {  	p0 =	sne.s32 s1, $0x0;
	_ =	strace $0x90000047  }
0x5a: {  	s0 =	sadd.s32 @!p0 $0x100000, s0;
	[bflag:$0x2] =	sbarrier.arrive $0xFFFF  }
0x5b: {  	[sflag:s0] =	ssyncadd.tile.s32 @!p0 $0x1;
	_ =	shalt  }
.Lfunc_end1:
_tile_overlayer_lowered:
.L_overlay_start_2:
0x5c: {  	(tag) =	ssettag $0x2  }
0x5d: {  	s0 =	rddreg [dreg:$0x0];
	s2 =	stileid.u32  }
0x5e: {  	s1 =	rddreg [dreg:$0x1];
	p0 =	sne.s32 s2, $0x0  }
0x5f: {  	s3 =	rddreg [dreg:$0x2];
	[bflag:$0x3] =	sbarrier.arrive $0xFFFF;
	s2 =	simm.s32 @!p0 $0x1C01  }
0x60: {  	[timem:s3], [sflag:s2] =	dma.local @!p0 [hbm:s0], s1  }
0x61: {  	s0 =	simm.s32 @!p0 $0x1  }
0x62: {  	_ =	swait.ge @!p0 [sflag:s0], s1  }
0x63: {  	s1 =	ssub.s32 @!p0 $0x0, s1;
	[sflag:s0] =	ssyncset.done @!p0 $0x0  }
0x64: {  	[sflag:s0] =	ssyncadd.s32 @!p0 s1  }
0x65: {  	[bflag:$0x3] =	sbarrier.arrive $0xFFFF  }
0x66: {  	_ =	shalt  }

</sc_bundles>
